<compile_context>
chip_gen: v7x
topology: tpu7x:2x2x1
jax: 0.10.2.dev20260603
libtpu: 0.0.44.dev20260713+nightly
codegen_flags: <defaults>
</compile_context>

<pallas_src>
import jax
import jax.numpy as jnp
from jax import lax
from jax.experimental import pallas as pl
from jax.experimental.pallas import tpu as pltpu
from jax.experimental.pallas import tpu_sc as plsc

DIM = 128
K = 65536
B = 1024
NC = 2
NS = 16
NW = NC * NS
HALF = K // 2
CW = 4096
NCH = HALF // CW
NB = 3
LW = K // NW


def _sc_body(keys_ref, labels_ref, q_ref, ql_ref, scal_ref, nptr_ref,
             outq_ref, outl_ref, outp_ref,
             bufs, lbuf, pbuf, scal_v, rsem, wsem, psem):
    wid = lax.axis_index("s") * NC + lax.axis_index("c")
    r0 = pl.multiple_of((wid // 2) * 8, 8)
    c0 = pl.multiple_of((wid % 2) * HALF, HALF)

    pltpu.sync_copy(scal_ref, scal_v)
    start = pl.multiple_of(scal_v[...][0], B)

    def rd(c, b):
        return pltpu.make_async_copy(
            q_ref.at[pl.ds(r0, 8), pl.ds(c0 + c * CW, CW)], bufs.at[b],
            rsem.at[b])

    def wr(c, b):
        return pltpu.make_async_copy(
            bufs.at[b], outq_ref.at[pl.ds(r0, 8), pl.ds(c0 + c * CW, CW)],
            wsem.at[b])

    for c in range(NB):
        rd(c, c).start()

    lc0 = pl.multiple_of(wid * LW, LW)
    pltpu.sync_copy(ql_ref.at[:, pl.ds(lc0, LW)], lbuf)
    in_lstrip = jnp.logical_and(start >= lc0, start < lc0 + LW)

    @pl.when(in_lstrip)
    def _():
        lo = pl.multiple_of(start - lc0, B)
        pltpu.sync_copy(labels_ref, lbuf.at[:, pl.ds(lo, B)])
    pltpu.sync_copy(lbuf, outl_ref.at[:, pl.ds(lc0, LW)])

    @pl.when(wid == 1)
    def _():
        pltpu.make_async_copy(nptr_ref, pbuf, psem).wait()
        pltpu.make_async_copy(pbuf, outp_ref, psem).wait()

    in_half = jnp.logical_and(start >= c0, start < c0 + HALF)
    off = start - c0
    ci = jnp.where(in_half, off // CW, -1)
    lo = pl.multiple_of(off - (off // CW) * CW, B)

    for c in range(NCH):
        b = c % NB
        rd(c, b).wait()

        @pl.when(ci == c)
        def _():
            pltpu.sync_copy(keys_ref.at[pl.ds(r0, 8)],
                            bufs.at[b, :, pl.ds(lo, B)])

        wr(c, b).start()
        if c + NB < NCH:
            wr(c, b).wait()
            rd(c + NB, b).start()

    for c in range(NCH - NB, NCH):
        wr(c, c % NB).wait()


def kernel(keys, labels, queue, q_label, queue_ptr):
    ptr = queue_ptr[0]
    start = jnp.clip(ptr, 0, K - B)
    new_ptr = ((ptr + B) % K)[None].astype(jnp.int32)
    scal = jnp.full((16,), start, dtype=jnp.int32)
    keys_t = keys.T
    labels_row = labels[None, :]

    mesh = plsc.VectorSubcoreMesh(core_axis_name="c", subcore_axis_name="s")
    f = pl.kernel(
        _sc_body,
        out_type=[
            jax.ShapeDtypeStruct((DIM, K), jnp.float32),
            jax.ShapeDtypeStruct((1, K), jnp.int32),
            jax.ShapeDtypeStruct((1,), jnp.int32),
        ],
        mesh=mesh,
        scratch_types=[
            pltpu.VMEM((NB, 8, CW), jnp.float32),
            pltpu.VMEM((1, LW), jnp.int32),
            pltpu.VMEM((1,), jnp.int32),
            pltpu.VMEM((16,), jnp.int32),
            pltpu.SemaphoreType.DMA((NB,)),
            pltpu.SemaphoreType.DMA((NB,)),
            pltpu.SemaphoreType.DMA,
        ],
    )
    return tuple(f(keys_t, labels_row, queue, q_label, scal, new_ptr))

# --- scband reference (transcript-rebuilt; emitter-appended) ---
"""Pipeline reference for scband-memory-bank-36601711296749 (READ-ONLY COPY).

The authoritative reference and input builder live on the scoring server;
editing this copy changes nothing except your own understanding.
"""

import jax, jax.numpy as jnp
import numpy as np

DIM = 128
K = 65536
N_CLS = 1000
B = 1024


def setup_inputs(seed: int = 0) -> dict:
    key = jax.random.key(seed)
    k1, k2, k3, k4 = jax.random.split(key, 4)
    keys_ = jax.random.normal(k1, (B, DIM), dtype=jnp.float32)
    labels = jax.random.randint(k2, (B,), 0, N_CLS, dtype=jnp.int32)
    # buffers sized per init_kwargs
    queue = jax.random.normal(k3, (DIM, K), dtype=jnp.float32)
    queue = queue / jnp.linalg.norm(queue, axis=0, keepdims=True)  # F.normalize(dim=0)
    q_label = jax.random.randint(k4, (1, K), 0, N_CLS, dtype=jnp.int32)
    queue_ptr = jnp.zeros((1,), dtype=jnp.int32)
    return {"keys": keys_, "labels": labels, "queue": queue, "q_label": q_label, "queue_ptr": queue_ptr}


def reference(keys, labels, queue, q_label, queue_ptr):
    # Faithful translation of MemoryBank._dequeue_and_enqueue
    batch_size = keys.shape[0]
    ptr = queue_ptr[0]
    zero = jnp.array(0, dtype=ptr.dtype)
    # self.queue[:, ptr:ptr+B] = keys.T  (scatter-overwrite / slice update)
    new_queue = jax.lax.dynamic_update_slice(queue, keys.T, (zero, ptr))
    # self.q_label[:, ptr:ptr+B] = labels.unsqueeze(1).T
    new_q_label = jax.lax.dynamic_update_slice(q_label, labels[None, :], (zero, ptr))
    # ptr = (ptr + batch_size) % K ; self.queue_ptr[0] = ptr
    new_ptr = (ptr + batch_size) % K
    new_queue_ptr = queue_ptr.at[0].set(new_ptr)
    return new_queue, new_q_label, new_queue_ptr

if __name__ == "__main__":
    import jax
    _d = setup_inputs()
    print(jax.jit(kernel)(*tuple(_d.values())))

</pallas_src>

<mosaic_0001>
#map = affine_map<(d0, d1) -> (0, 0)>
#map1 = affine_map<(d0, d1) -> (0)>
module attributes {stable_mosaic.version = 14 : i64} {
  func.func @_sc_body(%arg0: i32, %arg1: i32, %arg2: memref<128x1024xf32, #tpu.memory_space<hbm>>, %arg3: memref<1x1024xi32, #tpu.memory_space<hbm>>, %arg4: memref<128x65536xf32, #tpu.memory_space<hbm>>, %arg5: memref<1x65536xi32, #tpu.memory_space<hbm>>, %arg6: memref<16xi32, #tpu.memory_space<hbm>>, %arg7: memref<1xi32, #tpu.memory_space<hbm>>, %arg8: memref<128x65536xf32, #tpu.memory_space<hbm>>, %arg9: memref<1x65536xi32, #tpu.memory_space<hbm>>, %arg10: memref<1xi32, #tpu.memory_space<hbm>>, %arg11: memref<3x8x4096xf32, #tpu.memory_space<vmem>>, %arg12: memref<1x2048xi32, #tpu.memory_space<vmem>>, %arg13: memref<1xi32, #tpu.memory_space<vmem>>, %arg14: memref<16xi32, #tpu.memory_space<vmem>>, %arg15: memref<3x!tpu.dma_semaphore, #tpu.memory_space<semaphore_mem>>, %arg16: memref<3x!tpu.dma_semaphore, #tpu.memory_space<semaphore_mem>>, %arg17: memref<!tpu.dma_semaphore, #tpu.memory_space<semaphore_mem>>) attributes {dimension_semantics = [#tpu.dimension_semantics<core_parallel>, #tpu.dimension_semantics<subcore_parallel>], iteration_bounds = array<i64: 2, 16>, scalar_prefetch = 0 : i64, scratch_operands = 7 : i64, tpu.core_type = #tpu.core_type<sc_vector_subcore>, window_params = [{transform_indices = #map}, {transform_indices = #map}, {transform_indices = #map}, {transform_indices = #map}, {transform_indices = #map1}, {transform_indices = #map1}, {transform_indices = #map}, {transform_indices = #map}, {transform_indices = #map1}]} {
    %mul3A = arith.constant 2 : i32
    %mul3A_0 = arith.muli %arg1, %mul3A : i32
    %add3A = arith.addi %mul3A_0, %arg0 : i32
    %jit3A = arith.constant 2 : i32
    %div3A = arith.divsi %add3A, %jit3A : i32
    %sign3A = arith.constant 0 : i32
    %sign3A_1 = arith.cmpi sgt, %add3A, %sign3A : i32
    %sign3A_2 = arith.extui %sign3A_1 : i1 to i32
    %sign3A_3 = arith.constant 0 : i32
    %sign3A_4 = arith.cmpi slt, %add3A, %sign3A_3 : i32
    %sign3A_5 = arith.extui %sign3A_4 : i1 to i32
    %sign3A_6 = arith.subi %sign3A_2, %sign3A_5 : i32
    %sign3A_7 = arith.constant 0 : i32
    %sign3A_8 = arith.cmpi sgt, %jit3A, %sign3A_7 : i32
    %sign3A_9 = arith.extui %sign3A_8 : i1 to i32
    %sign3A_10 = arith.constant 0 : i32
    %sign3A_11 = arith.cmpi slt, %jit3A, %sign3A_10 : i32
    %sign3A_12 = arith.extui %sign3A_11 : i1 to i32
    %sign3A_13 = arith.subi %sign3A_9, %sign3A_12 : i32
    %ne3A = arith.cmpi ne, %sign3A_6, %sign3A_13 : i32
    %rem3A = arith.remsi %add3A, %jit3A : i32
    %ne3A_14 = arith.constant 0 : i32
    %ne3A_15 = arith.cmpi ne, %rem3A, %ne3A_14 : i32
    %and3A = arith.andi %ne3A, %ne3A_15 : i1
    %sub3A = arith.constant 1 : i32
    %sub3A_16 = arith.subi %div3A, %sub3A : i32
    %select_n3A = arith.select %and3A, %sub3A_16, %div3A : i32
    %mul3A_17 = arith.constant 8 : i32
    %mul3A_18 = arith.muli %select_n3A, %mul3A_17 : i32
    %multiple_of3A = tpu.assume_multiple %mul3A_18, 8 : i32
    %jit3A_19 = arith.constant 2 : i32
    %eq3A = arith.constant 0 : i32
    %eq3A_20 = arith.cmpi eq, %jit3A_19, %eq3A : i32
    %jit3A_21 = arith.constant 1 : i32
    %select_n3A_22 = arith.select %eq3A_20, %jit3A_21, %jit3A_19 : i32
    %rem3A_23 = arith.remsi %add3A, %select_n3A_22 : i32
    %ne3A_24 = arith.constant 0 : i32
    %ne3A_25 = arith.cmpi ne, %rem3A_23, %ne3A_24 : i32
    %lt3A = arith.constant 0 : i32
    %lt3A_26 = arith.cmpi slt, %rem3A_23, %lt3A : i32
    %lt3A_27 = arith.constant 0 : i32
    %lt3A_28 = arith.cmpi slt, %select_n3A_22, %lt3A_27 : i32
    %ne3A_29 = arith.xori %lt3A_26, %lt3A_28 : i1
    %and3A_30 = arith.andi %ne3A_29, %ne3A_25 : i1
    %add3A_31 = arith.addi %rem3A_23, %select_n3A_22 : i32
    %select_n3A_32 = arith.select %and3A_30, %add3A_31, %rem3A_23 : i32
    %mul3A_33 = arith.constant 32768 : i32
    %mul3A_34 = arith.muli %select_n3A_32, %mul3A_33 : i32
    %multiple_of3A_35 = tpu.assume_multiple %mul3A_34, 32768 : i32
    "tpu.region"() ({
      %run_scoped3A = tpu.sem_alloc : memref<!tpu.dma_semaphore, #tpu.memory_space<semaphore_mem>>
      tpu.enqueue_dma source(%arg6 : memref<16xi32, #tpu.memory_space<hbm>>) target(%arg14 : memref<16xi32, #tpu.memory_space<vmem>>) target_semaphore(%run_scoped3A : memref<!tpu.dma_semaphore, #tpu.memory_space<semaphore_mem>>)
      tpu.wait_dma2 semaphore(%run_scoped3A : memref<!tpu.dma_semaphore, #tpu.memory_space<semaphore_mem>>) src(%arg6 : memref<16xi32, #tpu.memory_space<hbm>>) dst(%arg14 : memref<16xi32, #tpu.memory_space<vmem>>)
      tpu.yield
    }) : () -> ()
    %get3A = arith.constant 0 : index
    %get3A_36 = tpu.vector_load %arg14[%get3A] {strides = array<i32>} : memref<16xi32, #tpu.memory_space<vmem>>, vector<16xi32>,
    %get3A_37 = vector.shape_cast %get3A_36 : vector<16xi32> to vector<16xi32>
    %slice3A = vector.extract_strided_slice %get3A_37 {offsets = [0], sizes = [1], strides = [1]} : vector<16xi32> to vector<1xi32>
    %squeeze3A = vector.extract %slice3A[0] : i32 from vector<1xi32>
    %multiple_of3A_38 = tpu.assume_multiple %squeeze3A, 1024 : i32
    %add3A_39 = arith.constant 0 : i32
    %add3A_40 = arith.addi %multiple_of3A_35, %add3A_39 : i32
    %dma_start3A = arith.constant 0 : i32
    %dma_start3A_41 = arith.constant 0 : i32
    %dma_start3A_42 = arith.constant 0 : i32
    %dma_start3A_43 = arith.constant 0 : i32
    %dma_start3A_44 = tpu.memref_slice %arg11[%dma_start3A, %dma_start3A_42, %dma_start3A_43] : memref<3x8x4096xf32, #tpu.memory_space<vmem>> -> memref<1x8x4096xf32, #tpu.memory_space<vmem>>
    %dma_start3A_45 = tpu.memref_squeeze %dma_start3A_44 : memref<1x8x4096xf32, #tpu.memory_space<vmem>> -> memref<8x4096xf32, #tpu.memory_space<vmem>>
    %dma_start3A_46 = tpu.memref_slice %arg4[%multiple_of3A, %add3A_40] : memref<128x65536xf32, #tpu.memory_space<hbm>> -> memref<8x4096xf32, #tpu.memory_space<hbm>>
    %dma_start3A_47 = tpu.memref_slice %arg15[%dma_start3A_41] : memref<3x!tpu.dma_semaphore, #tpu.memory_space<semaphore_mem>> -> memref<1x!tpu.dma_semaphore, #tpu.memory_space<semaphore_mem>>
    %dma_start3A_48 = tpu.memref_squeeze %dma_start3A_47 : memref<1x!tpu.dma_semaphore, #tpu.memory_space<semaphore_mem>> -> memref<!tpu.dma_semaphore, #tpu.memory_space<semaphore_mem>>
    %dma_start3A_49 = arith.constant 0 : i32
    %dma_start3A_50 = arith.constant 0 : i32
    %dma_start3A_51 = tpu.memref_slice %arg11[%dma_start3A, %dma_start3A_49, %dma_start3A_50] : memref<3x8x4096xf32, #tpu.memory_space<vmem>> -> memref<1x8x4096xf32, #tpu.memory_space<vmem>>
    %dma_start3A_52 = tpu.memref_squeeze %dma_start3A_51 : memref<1x8x4096xf32, #tpu.memory_space<vmem>> -> memref<8x4096xf32, #tpu.memory_space<vmem>>
    %dma_start3A_53 = tpu.memref_slice %arg4[%multiple_of3A, %add3A_40] : memref<128x65536xf32, #tpu.memory_space<hbm>> -> memref<8x4096xf32, #tpu.memory_space<hbm>>
    tpu.enqueue_dma source(%dma_start3A_53 : memref<8x4096xf32, #tpu.memory_space<hbm>>) target(%dma_start3A_52 : memref<8x4096xf32, #tpu.memory_space<vmem>>) target_semaphore(%dma_start3A_48 : memref<!tpu.dma_semaphore, #tpu.memory_space<semaphore_mem>>)
    %add3A_54 = arith.constant 4096 : i32
    %add3A_55 = arith.addi %multiple_of3A_35, %add3A_54 : i32
    %dma_start3A_56 = arith.constant 1 : i32
    %dma_start3A_57 = arith.constant 1 : i32
    %dma_start3A_58 = arith.constant 0 : i32
    %dma_start3A_59 = arith.constant 0 : i32
    %dma_start3A_60 = tpu.memref_slice %arg11[%dma_start3A_56, %dma_start3A_58, %dma_start3A_59] : memref<3x8x4096xf32, #tpu.memory_space<vmem>> -> memref<1x8x4096xf32, #tpu.memory_space<vmem>>
    %dma_start3A_61 = tpu.memref_squeeze %dma_start3A_60 : memref<1x8x4096xf32, #tpu.memory_space<vmem>> -> memref<8x4096xf32, #tpu.memory_space<vmem>>
    %dma_start3A_62 = tpu.memref_slice %arg4[%multiple_of3A, %add3A_55] : memref<128x65536xf32, #tpu.memory_space<hbm>> -> memref<8x4096xf32, #tpu.memory_space<hbm>>
    %dma_start3A_63 = tpu.memref_slice %arg15[%dma_start3A_57] : memref<3x!tpu.dma_semaphore, #tpu.memory_space<semaphore_mem>> -> memref<1x!tpu.dma_semaphore, #tpu.memory_space<semaphore_mem>>
    %dma_start3A_64 = tpu.memref_squeeze %dma_start3A_63 : memref<1x!tpu.dma_semaphore, #tpu.memory_space<semaphore_mem>> -> memref<!tpu.dma_semaphore, #tpu.memory_space<semaphore_mem>>
    %dma_start3A_65 = arith.constant 0 : i32
    %dma_start3A_66 = arith.constant 0 : i32
    %dma_start3A_67 = tpu.memref_slice %arg11[%dma_start3A_56, %dma_start3A_65, %dma_start3A_66] : memref<3x8x4096xf32, #tpu.memory_space<vmem>> -> memref<1x8x4096xf32, #tpu.memory_space<vmem>>
    %dma_start3A_68 = tpu.memref_squeeze %dma_start3A_67 : memref<1x8x4096xf32, #tpu.memory_space<vmem>> -> memref<8x4096xf32, #tpu.memory_space<vmem>>
    %dma_start3A_69 = tpu.memref_slice %arg4[%multiple_of3A, %add3A_55] : memref<128x65536xf32, #tpu.memory_space<hbm>> -> memref<8x4096xf32, #tpu.memory_space<hbm>>
    tpu.enqueue_dma source(%dma_start3A_69 : memref<8x4096xf32, #tpu.memory_space<hbm>>) target(%dma_start3A_68 : memref<8x4096xf32, #tpu.memory_space<vmem>>) target_semaphore(%dma_start3A_64 : memref<!tpu.dma_semaphore, #tpu.memory_space<semaphore_mem>>)
    %add3A_70 = arith.constant 8192 : i32
    %add3A_71 = arith.addi %multiple_of3A_35, %add3A_70 : i32
    %dma_start3A_72 = arith.constant 2 : i32
    %dma_start3A_73 = arith.constant 2 : i32
    %dma_start3A_74 = arith.constant 0 : i32
    %dma_start3A_75 = arith.constant 0 : i32
    %dma_start3A_76 = tpu.memref_slice %arg11[%dma_start3A_72, %dma_start3A_74, %dma_start3A_75] : memref<3x8x4096xf32, #tpu.memory_space<vmem>> -> memref<1x8x4096xf32, #tpu.memory_space<vmem>>
    %dma_start3A_77 = tpu.memref_squeeze %dma_start3A_76 : memref<1x8x4096xf32, #tpu.memory_space<vmem>> -> memref<8x4096xf32, #tpu.memory_space<vmem>>
    %dma_start3A_78 = tpu.memref_slice %arg4[%multiple_of3A, %add3A_71] : memref<128x65536xf32, #tpu.memory_space<hbm>> -> memref<8x4096xf32, #tpu.memory_space<hbm>>
    %dma_start3A_79 = tpu.memref_slice %arg15[%dma_start3A_73] : memref<3x!tpu.dma_semaphore, #tpu.memory_space<semaphore_mem>> -> memref<1x!tpu.dma_semaphore, #tpu.memory_space<semaphore_mem>>
    %dma_start3A_80 = tpu.memref_squeeze %dma_start3A_79 : memref<1x!tpu.dma_semaphore, #tpu.memory_space<semaphore_mem>> -> memref<!tpu.dma_semaphore, #tpu.memory_space<semaphore_mem>>
    %dma_start3A_81 = arith.constant 0 : i32
    %dma_start3A_82 = arith.constant 0 : i32
    %dma_start3A_83 = tpu.memref_slice %arg11[%dma_start3A_72, %dma_start3A_81, %dma_start3A_82] : memref<3x8x4096xf32, #tpu.memory_space<vmem>> -> memref<1x8x4096xf32, #tpu.memory_space<vmem>>
    %dma_start3A_84 = tpu.memref_squeeze %dma_start3A_83 : memref<1x8x4096xf32, #tpu.memory_space<vmem>> -> memref<8x4096xf32, #tpu.memory_space<vmem>>
    %dma_start3A_85 = tpu.memref_slice %arg4[%multiple_of3A, %add3A_71] : memref<128x65536xf32, #tpu.memory_space<hbm>> -> memref<8x4096xf32, #tpu.memory_space<hbm>>
    tpu.enqueue_dma source(%dma_start3A_85 : memref<8x4096xf32, #tpu.memory_space<hbm>>) target(%dma_start3A_84 : memref<8x4096xf32, #tpu.memory_space<vmem>>) target_semaphore(%dma_start3A_80 : memref<!tpu.dma_semaphore, #tpu.memory_space<semaphore_mem>>)
    %mul3A_86 = arith.constant 2048 : i32
    %mul3A_87 = arith.muli %add3A, %mul3A_86 : i32
    %multiple_of3A_88 = tpu.assume_multiple %mul3A_87, 2048 : i32
    "tpu.region"() ({
      %run_scoped3A = tpu.sem_alloc : memref<!tpu.dma_semaphore, #tpu.memory_space<semaphore_mem>>
      %dma_start3A_662 = arith.constant 0 : i32
      %dma_start3A_663 = tpu.memref_slice %arg5[%dma_start3A_662, %multiple_of3A_88] : memref<1x65536xi32, #tpu.memory_space<hbm>> -> memref<1x2048xi32, #tpu.memory_space<hbm>>
      %dma_start3A_664 = arith.constant 0 : i32
      %dma_start3A_665 = tpu.memref_slice %arg5[%dma_start3A_664, %multiple_of3A_88] : memref<1x65536xi32, #tpu.memory_space<hbm>> -> memref<1x2048xi32, #tpu.memory_space<hbm>>
      tpu.enqueue_dma source(%dma_start3A_665 : memref<1x2048xi32, #tpu.memory_space<hbm>>) target(%arg12 : memref<1x2048xi32, #tpu.memory_space<vmem>>) target_semaphore(%run_scoped3A : memref<!tpu.dma_semaphore, #tpu.memory_space<semaphore_mem>>)
      %dma_wait3A_666 = arith.constant 0 : i32
      %dma_wait3A_667 = tpu.memref_slice %arg5[%dma_wait3A_666, %multiple_of3A_88] : memref<1x65536xi32, #tpu.memory_space<hbm>> -> memref<1x2048xi32, #tpu.memory_space<hbm>>
      %dma_wait3A_668 = arith.constant 0 : i32
      %dma_wait3A_669 = tpu.memref_slice %arg5[%dma_wait3A_668, %multiple_of3A_88] : memref<1x65536xi32, #tpu.memory_space<hbm>> -> memref<1x2048xi32, #tpu.memory_space<hbm>>
      tpu.wait_dma2 semaphore(%run_scoped3A : memref<!tpu.dma_semaphore, #tpu.memory_space<semaphore_mem>>) src(%dma_wait3A_669 : memref<1x2048xi32, #tpu.memory_space<hbm>>) dst(%arg12 : memref<1x2048xi32, #tpu.memory_space<vmem>>)
      tpu.yield
    }) : () -> ()
    %ge3A = arith.cmpi sge, %multiple_of3A_38, %multiple_of3A_88 : i32
    %add3A_89 = arith.constant 2048 : i32
    %add3A_90 = arith.addi %multiple_of3A_88, %add3A_89 : i32
    %lt3A_91 = arith.cmpi slt, %multiple_of3A_38, %add3A_90 : i32
    %and3A_92 = arith.andi %ge3A, %lt3A_91 : i1
    %convert_element_type3A = arith.extui %and3A_92 : i1 to i32
    %cond3A = arith.constant 0 : i32
    %cond3A_93 = arith.cmpi ne, %convert_element_type3A, %cond3A : i32
    scf.if %cond3A_93 {
      %sub3A_662 = arith.subi %multiple_of3A_38, %multiple_of3A_88 : i32
      %multiple_of3A_663 = tpu.assume_multiple %sub3A_662, 1024 : i32
      "tpu.region"() ({
        %run_scoped3A = tpu.sem_alloc : memref<!tpu.dma_semaphore, #tpu.memory_space<semaphore_mem>>
        %dma_start3A_664 = arith.constant 0 : i32
        %dma_start3A_665 = tpu.memref_slice %arg12[%dma_start3A_664, %multiple_of3A_663] : memref<1x2048xi32, #tpu.memory_space<vmem>> -> memref<1x1024xi32, #tpu.memory_space<vmem>>
        %dma_start3A_666 = arith.constant 0 : i32
        %dma_start3A_667 = tpu.memref_slice %arg12[%dma_start3A_666, %multiple_of3A_663] : memref<1x2048xi32, #tpu.memory_space<vmem>> -> memref<1x1024xi32, #tpu.memory_space<vmem>>
        tpu.enqueue_dma source(%arg3 : memref<1x1024xi32, #tpu.memory_space<hbm>>) target(%dma_start3A_667 : memref<1x1024xi32, #tpu.memory_space<vmem>>) target_semaphore(%run_scoped3A : memref<!tpu.dma_semaphore, #tpu.memory_space<semaphore_mem>>)
        %dma_wait3A_668 = arith.constant 0 : i32
        %dma_wait3A_669 = tpu.memref_slice %arg12[%dma_wait3A_668, %multiple_of3A_663] : memref<1x2048xi32, #tpu.memory_space<vmem>> -> memref<1x1024xi32, #tpu.memory_space<vmem>>
        %dma_wait3A_670 = arith.constant 0 : i32
        %dma_wait3A_671 = tpu.memref_slice %arg12[%dma_wait3A_670, %multiple_of3A_663] : memref<1x2048xi32, #tpu.memory_space<vmem>> -> memref<1x1024xi32, #tpu.memory_space<vmem>>
        tpu.wait_dma2 semaphore(%run_scoped3A : memref<!tpu.dma_semaphore, #tpu.memory_space<semaphore_mem>>) src(%arg3 : memref<1x1024xi32, #tpu.memory_space<hbm>>) dst(%dma_wait3A_671 : memref<1x1024xi32, #tpu.memory_space<vmem>>)
        tpu.yield
      }) : () -> ()
    } else {
    }
    "tpu.region"() ({
      %run_scoped3A = tpu.sem_alloc : memref<!tpu.dma_semaphore, #tpu.memory_space<semaphore_mem>>
      %dma_start3A_662 = arith.constant 0 : i32
      %dma_start3A_663 = tpu.memref_slice %arg9[%dma_start3A_662, %multiple_of3A_88] : memref<1x65536xi32, #tpu.memory_space<hbm>> -> memref<1x2048xi32, #tpu.memory_space<hbm>>
      %dma_start3A_664 = arith.constant 0 : i32
      %dma_start3A_665 = tpu.memref_slice %arg9[%dma_start3A_664, %multiple_of3A_88] : memref<1x65536xi32, #tpu.memory_space<hbm>> -> memref<1x2048xi32, #tpu.memory_space<hbm>>
      tpu.enqueue_dma source(%arg12 : memref<1x2048xi32, #tpu.memory_space<vmem>>) target(%dma_start3A_665 : memref<1x2048xi32, #tpu.memory_space<hbm>>) target_semaphore(%run_scoped3A : memref<!tpu.dma_semaphore, #tpu.memory_space<semaphore_mem>>)
      %dma_wait3A_666 = arith.constant 0 : i32
      %dma_wait3A_667 = tpu.memref_slice %arg9[%dma_wait3A_666, %multiple_of3A_88] : memref<1x65536xi32, #tpu.memory_space<hbm>> -> memref<1x2048xi32, #tpu.memory_space<hbm>>
      %dma_wait3A_668 = arith.constant 0 : i32
      %dma_wait3A_669 = tpu.memref_slice %arg9[%dma_wait3A_668, %multiple_of3A_88] : memref<1x65536xi32, #tpu.memory_space<hbm>> -> memref<1x2048xi32, #tpu.memory_space<hbm>>
      tpu.wait_dma2 semaphore(%run_scoped3A : memref<!tpu.dma_semaphore, #tpu.memory_space<semaphore_mem>>) src(%arg12 : memref<1x2048xi32, #tpu.memory_space<vmem>>) dst(%dma_wait3A_669 : memref<1x2048xi32, #tpu.memory_space<hbm>>)
      tpu.yield
    }) : () -> ()
    %eq3A_94 = arith.constant 1 : i32
    %eq3A_95 = arith.cmpi eq, %add3A, %eq3A_94 : i32
    %convert_element_type3A_96 = arith.extui %eq3A_95 : i1 to i32
    %cond3A_97 = arith.constant 0 : i32
    %cond3A_98 = arith.cmpi ne, %convert_element_type3A_96, %cond3A_97 : i32
    scf.if %cond3A_98 {
      tpu.wait_dma2 semaphore(%arg17 : memref<!tpu.dma_semaphore, #tpu.memory_space<semaphore_mem>>) src(%arg7 : memref<1xi32, #tpu.memory_space<hbm>>) dst(%arg13 : memref<1xi32, #tpu.memory_space<vmem>>)
      tpu.wait_dma2 semaphore(%arg17 : memref<!tpu.dma_semaphore, #tpu.memory_space<semaphore_mem>>) src(%arg13 : memref<1xi32, #tpu.memory_space<vmem>>) dst(%arg10 : memref<1xi32, #tpu.memory_space<hbm>>)
    } else {
    }
    %ge3A_99 = arith.cmpi sge, %multiple_of3A_38, %multiple_of3A_35 : i32
    %add3A_100 = arith.constant 32768 : i32
    %add3A_101 = arith.addi %multiple_of3A_35, %add3A_100 : i32
    %lt3A_102 = arith.cmpi slt, %multiple_of3A_38, %add3A_101 : i32
    %and3A_103 = arith.andi %ge3A_99, %lt3A_102 : i1
    %sub3A_104 = arith.subi %multiple_of3A_38, %multiple_of3A_35 : i32
    %jit3A_105 = arith.constant 4096 : i32
    %div3A_106 = arith.divsi %sub3A_104, %jit3A_105 : i32
    %sign3A_107 = arith.constant 0 : i32
    %sign3A_108 = arith.cmpi sgt, %sub3A_104, %sign3A_107 : i32
    %sign3A_109 = arith.extui %sign3A_108 : i1 to i32
    %sign3A_110 = arith.constant 0 : i32
    %sign3A_111 = arith.cmpi slt, %sub3A_104, %sign3A_110 : i32
    %sign3A_112 = arith.extui %sign3A_111 : i1 to i32
    %sign3A_113 = arith.subi %sign3A_109, %sign3A_112 : i32
    %sign3A_114 = arith.constant 0 : i32
    %sign3A_115 = arith.cmpi sgt, %jit3A_105, %sign3A_114 : i32
    %sign3A_116 = arith.extui %sign3A_115 : i1 to i32
    %sign3A_117 = arith.constant 0 : i32
    %sign3A_118 = arith.cmpi slt, %jit3A_105, %sign3A_117 : i32
    %sign3A_119 = arith.extui %sign3A_118 : i1 to i32
    %sign3A_120 = arith.subi %sign3A_116, %sign3A_119 : i32
    %ne3A_121 = arith.cmpi ne, %sign3A_113, %sign3A_120 : i32
    %rem3A_122 = arith.remsi %sub3A_104, %jit3A_105 : i32
    %ne3A_123 = arith.constant 0 : i32
    %ne3A_124 = arith.cmpi ne, %rem3A_122, %ne3A_123 : i32
    %and3A_125 = arith.andi %ne3A_121, %ne3A_124 : i1
    %sub3A_126 = arith.constant 1 : i32
    %sub3A_127 = arith.subi %div3A_106, %sub3A_126 : i32
    %select_n3A_128 = arith.select %and3A_125, %sub3A_127, %div3A_106 : i32
    %jit3A_129 = arith.constant -1 : i32
    %select_n3A_130 = arith.select %and3A_103, %select_n3A_128, %jit3A_129 : i32
    %jit3A_131 = arith.constant 4096 : i32
    %div3A_132 = arith.divsi %sub3A_104, %jit3A_131 : i32
    %sign3A_133 = arith.constant 0 : i32
    %sign3A_134 = arith.cmpi sgt, %sub3A_104, %sign3A_133 : i32
    %sign3A_135 = arith.extui %sign3A_134 : i1 to i32
    %sign3A_136 = arith.constant 0 : i32
    %sign3A_137 = arith.cmpi slt, %sub3A_104, %sign3A_136 : i32
    %sign3A_138 = arith.extui %sign3A_137 : i1 to i32
    %sign3A_139 = arith.subi %sign3A_135, %sign3A_138 : i32
    %sign3A_140 = arith.constant 0 : i32
    %sign3A_141 = arith.cmpi sgt, %jit3A_131, %sign3A_140 : i32
    %sign3A_142 = arith.extui %sign3A_141 : i1 to i32
    %sign3A_143 = arith.constant 0 : i32
    %sign3A_144 = arith.cmpi slt, %jit3A_131, %sign3A_143 : i32
    %sign3A_145 = arith.extui %sign3A_144 : i1 to i32
    %sign3A_146 = arith.subi %sign3A_142, %sign3A_145 : i32
    %ne3A_147 = arith.cmpi ne, %sign3A_139, %sign3A_146 : i32
    %rem3A_148 = arith.remsi %sub3A_104, %jit3A_131 : i32
    %ne3A_149 = arith.constant 0 : i32
    %ne3A_150 = arith.cmpi ne, %rem3A_148, %ne3A_149 : i32
    %and3A_151 = arith.andi %ne3A_147, %ne3A_150 : i1
    %sub3A_152 = arith.constant 1 : i32
    %sub3A_153 = arith.subi %div3A_132, %sub3A_152 : i32
    %select_n3A_154 = arith.select %and3A_151, %sub3A_153, %div3A_132 : i32
    %mul3A_155 = arith.constant 4096 : i32
    %mul3A_156 = arith.muli %select_n3A_154, %mul3A_155 : i32
    %sub3A_157 = arith.subi %sub3A_104, %mul3A_156 : i32
    %multiple_of3A_158 = tpu.assume_multiple %sub3A_157, 1024 : i32
    %add3A_159 = arith.constant 0 : i32
    %add3A_160 = arith.addi %multiple_of3A_35, %add3A_159 : i32
    %dma_wait3A = arith.constant 0 : i32
    %dma_wait3A_161 = arith.constant 0 : i32
    %dma_wait3A_162 = arith.constant 0 : i32
    %dma_wait3A_163 = arith.constant 0 : i32
    %dma_wait3A_164 = tpu.memref_slice %arg11[%dma_wait3A, %dma_wait3A_162, %dma_wait3A_163] : memref<3x8x4096xf32, #tpu.memory_space<vmem>> -> memref<1x8x4096xf32, #tpu.memory_space<vmem>>
    %dma_wait3A_165 = tpu.memref_squeeze %dma_wait3A_164 : memref<1x8x4096xf32, #tpu.memory_space<vmem>> -> memref<8x4096xf32, #tpu.memory_space<vmem>>
    %dma_wait3A_166 = tpu.memref_slice %arg4[%multiple_of3A, %add3A_160] : memref<128x65536xf32, #tpu.memory_space<hbm>> -> memref<8x4096xf32, #tpu.memory_space<hbm>>
    %dma_wait3A_167 = tpu.memref_slice %arg15[%dma_wait3A_161] : memref<3x!tpu.dma_semaphore, #tpu.memory_space<semaphore_mem>> -> memref<1x!tpu.dma_semaphore, #tpu.memory_space<semaphore_mem>>
    %dma_wait3A_168 = tpu.memref_squeeze %dma_wait3A_167 : memref<1x!tpu.dma_semaphore, #tpu.memory_space<semaphore_mem>> -> memref<!tpu.dma_semaphore, #tpu.memory_space<semaphore_mem>>
    %dma_wait3A_169 = arith.constant 0 : i32
    %dma_wait3A_170 = arith.constant 0 : i32
    %dma_wait3A_171 = tpu.memref_slice %arg11[%dma_wait3A, %dma_wait3A_169, %dma_wait3A_170] : memref<3x8x4096xf32, #tpu.memory_space<vmem>> -> memref<1x8x4096xf32, #tpu.memory_space<vmem>>
    %dma_wait3A_172 = tpu.memref_squeeze %dma_wait3A_171 : memref<1x8x4096xf32, #tpu.memory_space<vmem>> -> memref<8x4096xf32, #tpu.memory_space<vmem>>
    %dma_wait3A_173 = tpu.memref_slice %arg4[%multiple_of3A, %add3A_160] : memref<128x65536xf32, #tpu.memory_space<hbm>> -> memref<8x4096xf32, #tpu.memory_space<hbm>>
    tpu.wait_dma2 semaphore(%dma_wait3A_168 : memref<!tpu.dma_semaphore, #tpu.memory_space<semaphore_mem>>) src(%dma_wait3A_173 : memref<8x4096xf32, #tpu.memory_space<hbm>>) dst(%dma_wait3A_172 : memref<8x4096xf32, #tpu.memory_space<vmem>>)
    %eq3A_174 = arith.constant 0 : i32
    %eq3A_175 = arith.cmpi eq, %select_n3A_130, %eq3A_174 : i32
    %convert_element_type3A_176 = arith.extui %eq3A_175 : i1 to i32
    %cond3A_177 = arith.constant 0 : i32
    %cond3A_178 = arith.cmpi ne, %convert_element_type3A_176, %cond3A_177 : i32
    scf.if %cond3A_178 {
      %run_scoped3A = arith.constant 0 : i32
      "tpu.region"() ({
        %run_scoped3A_662 = tpu.sem_alloc : memref<!tpu.dma_semaphore, #tpu.memory_space<semaphore_mem>>
        %dma_start3A_663 = arith.constant 0 : i32
        %dma_start3A_664 = tpu.memref_slice %arg11[%run_scoped3A, %dma_start3A_663, %multiple_of3A_158] : memref<3x8x4096xf32, #tpu.memory_space<vmem>> -> memref<1x8x1024xf32, #tpu.memory_space<vmem>>
        %dma_start3A_665 = tpu.memref_squeeze %dma_start3A_664 : memref<1x8x1024xf32, #tpu.memory_space<vmem>> -> memref<8x1024xf32, #tpu.memory_space<vmem>>
        %dma_start3A_666 = arith.constant 0 : i32
        %dma_start3A_667 = tpu.memref_slice %arg2[%multiple_of3A, %dma_start3A_666] : memref<128x1024xf32, #tpu.memory_space<hbm>> -> memref<8x1024xf32, #tpu.memory_space<hbm>>
        %dma_start3A_668 = arith.constant 0 : i32
        %dma_start3A_669 = tpu.memref_slice %arg11[%run_scoped3A, %dma_start3A_668, %multiple_of3A_158] : memref<3x8x4096xf32, #tpu.memory_space<vmem>> -> memref<1x8x1024xf32, #tpu.memory_space<vmem>>
        %dma_start3A_670 = tpu.memref_squeeze %dma_start3A_669 : memref<1x8x1024xf32, #tpu.memory_space<vmem>> -> memref<8x1024xf32, #tpu.memory_space<vmem>>
        %dma_start3A_671 = arith.constant 0 : i32
        %dma_start3A_672 = tpu.memref_slice %arg2[%multiple_of3A, %dma_start3A_671] : memref<128x1024xf32, #tpu.memory_space<hbm>> -> memref<8x1024xf32, #tpu.memory_space<hbm>>
        tpu.enqueue_dma source(%dma_start3A_672 : memref<8x1024xf32, #tpu.memory_space<hbm>>) target(%dma_start3A_670 : memref<8x1024xf32, #tpu.memory_space<vmem>>) target_semaphore(%run_scoped3A_662 : memref<!tpu.dma_semaphore, #tpu.memory_space<semaphore_mem>>)
        %dma_wait3A_673 = arith.constant 0 : i32
        %dma_wait3A_674 = tpu.memref_slice %arg11[%run_scoped3A, %dma_wait3A_673, %multiple_of3A_158] : memref<3x8x4096xf32, #tpu.memory_space<vmem>> -> memref<1x8x1024xf32, #tpu.memory_space<vmem>>
        %dma_wait3A_675 = tpu.memref_squeeze %dma_wait3A_674 : memref<1x8x1024xf32, #tpu.memory_space<vmem>> -> memref<8x1024xf32, #tpu.memory_space<vmem>>
        %dma_wait3A_676 = arith.constant 0 : i32
        %dma_wait3A_677 = tpu.memref_slice %arg2[%multiple_of3A, %dma_wait3A_676] : memref<128x1024xf32, #tpu.memory_space<hbm>> -> memref<8x1024xf32, #tpu.memory_space<hbm>>
        %dma_wait3A_678 = arith.constant 0 : i32
        %dma_wait3A_679 = tpu.memref_slice %arg11[%run_scoped3A, %dma_wait3A_678, %multiple_of3A_158] : memref<3x8x4096xf32, #tpu.memory_space<vmem>> -> memref<1x8x1024xf32, #tpu.memory_space<vmem>>
        %dma_wait3A_680 = tpu.memref_squeeze %dma_wait3A_679 : memref<1x8x1024xf32, #tpu.memory_space<vmem>> -> memref<8x1024xf32, #tpu.memory_space<vmem>>
        %dma_wait3A_681 = arith.constant 0 : i32
        %dma_wait3A_682 = tpu.memref_slice %arg2[%multiple_of3A, %dma_wait3A_681] : memref<128x1024xf32, #tpu.memory_space<hbm>> -> memref<8x1024xf32, #tpu.memory_space<hbm>>
        tpu.wait_dma2 semaphore(%run_scoped3A_662 : memref<!tpu.dma_semaphore, #tpu.memory_space<semaphore_mem>>) src(%dma_wait3A_682 : memref<8x1024xf32, #tpu.memory_space<hbm>>) dst(%dma_wait3A_680 : memref<8x1024xf32, #tpu.memory_space<vmem>>)
        tpu.yield
      }) : () -> ()
    } else {
    }
    %add3A_179 = arith.constant 0 : i32
    %add3A_180 = arith.addi %multiple_of3A_35, %add3A_179 : i32
    %dma_start3A_181 = arith.constant 0 : i32
    %dma_start3A_182 = arith.constant 0 : i32
    %dma_start3A_183 = arith.constant 0 : i32
    %dma_start3A_184 = arith.constant 0 : i32
    %dma_start3A_185 = tpu.memref_slice %arg11[%dma_start3A_181, %dma_start3A_183, %dma_start3A_184] : memref<3x8x4096xf32, #tpu.memory_space<vmem>> -> memref<1x8x4096xf32, #tpu.memory_space<vmem>>
    %dma_start3A_186 = tpu.memref_squeeze %dma_start3A_185 : memref<1x8x4096xf32, #tpu.memory_space<vmem>> -> memref<8x4096xf32, #tpu.memory_space<vmem>>
    %dma_start3A_187 = tpu.memref_slice %arg8[%multiple_of3A, %add3A_180] : memref<128x65536xf32, #tpu.memory_space<hbm>> -> memref<8x4096xf32, #tpu.memory_space<hbm>>
    %dma_start3A_188 = tpu.memref_slice %arg16[%dma_start3A_182] : memref<3x!tpu.dma_semaphore, #tpu.memory_space<semaphore_mem>> -> memref<1x!tpu.dma_semaphore, #tpu.memory_space<semaphore_mem>>
    %dma_start3A_189 = tpu.memref_squeeze %dma_start3A_188 : memref<1x!tpu.dma_semaphore, #tpu.memory_space<semaphore_mem>> -> memref<!tpu.dma_semaphore, #tpu.memory_space<semaphore_mem>>
    %dma_start3A_190 = tpu.memref_slice %arg8[%multiple_of3A, %add3A_180] : memref<128x65536xf32, #tpu.memory_space<hbm>> -> memref<8x4096xf32, #tpu.memory_space<hbm>>
    %dma_start3A_191 = arith.constant 0 : i32
    %dma_start3A_192 = arith.constant 0 : i32
    %dma_start3A_193 = tpu.memref_slice %arg11[%dma_start3A_181, %dma_start3A_191, %dma_start3A_192] : memref<3x8x4096xf32, #tpu.memory_space<vmem>> -> memref<1x8x4096xf32, #tpu.memory_space<vmem>>
    %dma_start3A_194 = tpu.memref_squeeze %dma_start3A_193 : memref<1x8x4096xf32, #tpu.memory_space<vmem>> -> memref<8x4096xf32, #tpu.memory_space<vmem>>
    tpu.enqueue_dma source(%dma_start3A_194 : memref<8x4096xf32, #tpu.memory_space<vmem>>) target(%dma_start3A_190 : memref<8x4096xf32, #tpu.memory_space<hbm>>) target_semaphore(%dma_start3A_189 : memref<!tpu.dma_semaphore, #tpu.memory_space<semaphore_mem>>)
    %add3A_195 = arith.constant 0 : i32
    %add3A_196 = arith.addi %multiple_of3A_35, %add3A_195 : i32
    %dma_wait3A_197 = arith.constant 0 : i32
    %dma_wait3A_198 = arith.constant 0 : i32
    %dma_wait3A_199 = arith.constant 0 : i32
    %dma_wait3A_200 = arith.constant 0 : i32
    %dma_wait3A_201 = tpu.memref_slice %arg11[%dma_wait3A_197, %dma_wait3A_199, %dma_wait3A_200] : memref<3x8x4096xf32, #tpu.memory_space<vmem>> -> memref<1x8x4096xf32, #tpu.memory_space<vmem>>
    %dma_wait3A_202 = tpu.memref_squeeze %dma_wait3A_201 : memref<1x8x4096xf32, #tpu.memory_space<vmem>> -> memref<8x4096xf32, #tpu.memory_space<vmem>>
    %dma_wait3A_203 = tpu.memref_slice %arg8[%multiple_of3A, %add3A_196] : memref<128x65536xf32, #tpu.memory_space<hbm>> -> memref<8x4096xf32, #tpu.memory_space<hbm>>
    %dma_wait3A_204 = tpu.memref_slice %arg16[%dma_wait3A_198] : memref<3x!tpu.dma_semaphore, #tpu.memory_space<semaphore_mem>> -> memref<1x!tpu.dma_semaphore, #tpu.memory_space<semaphore_mem>>
    %dma_wait3A_205 = tpu.memref_squeeze %dma_wait3A_204 : memref<1x!tpu.dma_semaphore, #tpu.memory_space<semaphore_mem>> -> memref<!tpu.dma_semaphore, #tpu.memory_space<semaphore_mem>>
    %dma_wait3A_206 = tpu.memref_slice %arg8[%multiple_of3A, %add3A_196] : memref<128x65536xf32, #tpu.memory_space<hbm>> -> memref<8x4096xf32, #tpu.memory_space<hbm>>
    %dma_wait3A_207 = arith.constant 0 : i32
    %dma_wait3A_208 = arith.constant 0 : i32
    %dma_wait3A_209 = tpu.memref_slice %arg11[%dma_wait3A_197, %dma_wait3A_207, %dma_wait3A_208] : memref<3x8x4096xf32, #tpu.memory_space<vmem>> -> memref<1x8x4096xf32, #tpu.memory_space<vmem>>
    %dma_wait3A_210 = tpu.memref_squeeze %dma_wait3A_209 : memref<1x8x4096xf32, #tpu.memory_space<vmem>> -> memref<8x4096xf32, #tpu.memory_space<vmem>>
    tpu.wait_dma2 semaphore(%dma_wait3A_205 : memref<!tpu.dma_semaphore, #tpu.memory_space<semaphore_mem>>) src(%dma_wait3A_210 : memref<8x4096xf32, #tpu.memory_space<vmem>>) dst(%dma_wait3A_206 : memref<8x4096xf32, #tpu.memory_space<hbm>>)
    %add3A_211 = arith.constant 12288 : i32
    %add3A_212 = arith.addi %multiple_of3A_35, %add3A_211 : i32
    %dma_start3A_213 = arith.constant 0 : i32
    %dma_start3A_214 = arith.constant 0 : i32
    %dma_start3A_215 = arith.constant 0 : i32
    %dma_start3A_216 = arith.constant 0 : i32
    %dma_start3A_217 = tpu.memref_slice %arg11[%dma_start3A_213, %dma_start3A_215, %dma_start3A_216] : memref<3x8x4096xf32, #tpu.memory_space<vmem>> -> memref<1x8x4096xf32, #tpu.memory_space<vmem>>
    %dma_start3A_218 = tpu.memref_squeeze %dma_start3A_217 : memref<1x8x4096xf32, #tpu.memory_space<vmem>> -> memref<8x4096xf32, #tpu.memory_space<vmem>>
    %dma_start3A_219 = tpu.memref_slice %arg4[%multiple_of3A, %add3A_212] : memref<128x65536xf32, #tpu.memory_space<hbm>> -> memref<8x4096xf32, #tpu.memory_space<hbm>>
    %dma_start3A_220 = tpu.memref_slice %arg15[%dma_start3A_214] : memref<3x!tpu.dma_semaphore, #tpu.memory_space<semaphore_mem>> -> memref<1x!tpu.dma_semaphore, #tpu.memory_space<semaphore_mem>>
    %dma_start3A_221 = tpu.memref_squeeze %dma_start3A_220 : memref<1x!tpu.dma_semaphore, #tpu.memory_space<semaphore_mem>> -> memref<!tpu.dma_semaphore, #tpu.memory_space<semaphore_mem>>
    %dma_start3A_222 = arith.constant 0 : i32
    %dma_start3A_223 = arith.constant 0 : i32
    %dma_start3A_224 = tpu.memref_slice %arg11[%dma_start3A_213, %dma_start3A_222, %dma_start3A_223] : memref<3x8x4096xf32, #tpu.memory_space<vmem>> -> memref<1x8x4096xf32, #tpu.memory_space<vmem>>
    %dma_start3A_225 = tpu.memref_squeeze %dma_start3A_224 : memref<1x8x4096xf32, #tpu.memory_space<vmem>> -> memref<8x4096xf32, #tpu.memory_space<vmem>>
    %dma_start3A_226 = tpu.memref_slice %arg4[%multiple_of3A, %add3A_212] : memref<128x65536xf32, #tpu.memory_space<hbm>> -> memref<8x4096xf32, #tpu.memory_space<hbm>>
    tpu.enqueue_dma source(%dma_start3A_226 : memref<8x4096xf32, #tpu.memory_space<hbm>>) target(%dma_start3A_225 : memref<8x4096xf32, #tpu.memory_space<vmem>>) target_semaphore(%dma_start3A_221 : memref<!tpu.dma_semaphore, #tpu.memory_space<semaphore_mem>>)
    %add3A_227 = arith.constant 4096 : i32
    %add3A_228 = arith.addi %multiple_of3A_35, %add3A_227 : i32
    %dma_wait3A_229 = arith.constant 1 : i32
    %dma_wait3A_230 = arith.constant 1 : i32
    %dma_wait3A_231 = arith.constant 0 : i32
    %dma_wait3A_232 = arith.constant 0 : i32
    %dma_wait3A_233 = tpu.memref_slice %arg11[%dma_wait3A_229, %dma_wait3A_231, %dma_wait3A_232] : memref<3x8x4096xf32, #tpu.memory_space<vmem>> -> memref<1x8x4096xf32, #tpu.memory_space<vmem>>
    %dma_wait3A_234 = tpu.memref_squeeze %dma_wait3A_233 : memref<1x8x4096xf32, #tpu.memory_space<vmem>> -> memref<8x4096xf32, #tpu.memory_space<vmem>>
    %dma_wait3A_235 = tpu.memref_slice %arg4[%multiple_of3A, %add3A_228] : memref<128x65536xf32, #tpu.memory_space<hbm>> -> memref<8x4096xf32, #tpu.memory_space<hbm>>
    %dma_wait3A_236 = tpu.memref_slice %arg15[%dma_wait3A_230] : memref<3x!tpu.dma_semaphore, #tpu.memory_space<semaphore_mem>> -> memref<1x!tpu.dma_semaphore, #tpu.memory_space<semaphore_mem>>
    %dma_wait3A_237 = tpu.memref_squeeze %dma_wait3A_236 : memref<1x!tpu.dma_semaphore, #tpu.memory_space<semaphore_mem>> -> memref<!tpu.dma_semaphore, #tpu.memory_space<semaphore_mem>>
    %dma_wait3A_238 = arith.constant 0 : i32
    %dma_wait3A_239 = arith.constant 0 : i32
    %dma_wait3A_240 = tpu.memref_slice %arg11[%dma_wait3A_229, %dma_wait3A_238, %dma_wait3A_239] : memref<3x8x4096xf32, #tpu.memory_space<vmem>> -> memref<1x8x4096xf32, #tpu.memory_space<vmem>>
    %dma_wait3A_241 = tpu.memref_squeeze %dma_wait3A_240 : memref<1x8x4096xf32, #tpu.memory_space<vmem>> -> memref<8x4096xf32, #tpu.memory_space<vmem>>
    %dma_wait3A_242 = tpu.memref_slice %arg4[%multiple_of3A, %add3A_228] : memref<128x65536xf32, #tpu.memory_space<hbm>> -> memref<8x4096xf32, #tpu.memory_space<hbm>>
    tpu.wait_dma2 semaphore(%dma_wait3A_237 : memref<!tpu.dma_semaphore, #tpu.memory_space<semaphore_mem>>) src(%dma_wait3A_242 : memref<8x4096xf32, #tpu.memory_space<hbm>>) dst(%dma_wait3A_241 : memref<8x4096xf32, #tpu.memory_space<vmem>>)
    %eq3A_243 = arith.constant 1 : i32
    %eq3A_244 = arith.cmpi eq, %select_n3A_130, %eq3A_243 : i32
    %convert_element_type3A_245 = arith.extui %eq3A_244 : i1 to i32
    %cond3A_246 = arith.constant 0 : i32
    %cond3A_247 = arith.cmpi ne, %convert_element_type3A_245, %cond3A_246 : i32
    scf.if %cond3A_247 {
      %run_scoped3A = arith.constant 1 : i32
      "tpu.region"() ({
        %run_scoped3A_662 = tpu.sem_alloc : memref<!tpu.dma_semaphore, #tpu.memory_space<semaphore_mem>>
        %dma_start3A_663 = arith.constant 0 : i32
        %dma_start3A_664 = tpu.memref_slice %arg11[%run_scoped3A, %dma_start3A_663, %multiple_of3A_158] : memref<3x8x4096xf32, #tpu.memory_space<vmem>> -> memref<1x8x1024xf32, #tpu.memory_space<vmem>>
        %dma_start3A_665 = tpu.memref_squeeze %dma_start3A_664 : memref<1x8x1024xf32, #tpu.memory_space<vmem>> -> memref<8x1024xf32, #tpu.memory_space<vmem>>
        %dma_start3A_666 = arith.constant 0 : i32
        %dma_start3A_667 = tpu.memref_slice %arg2[%multiple_of3A, %dma_start3A_666] : memref<128x1024xf32, #tpu.memory_space<hbm>> -> memref<8x1024xf32, #tpu.memory_space<hbm>>
        %dma_start3A_668 = arith.constant 0 : i32
        %dma_start3A_669 = tpu.memref_slice %arg11[%run_scoped3A, %dma_start3A_668, %multiple_of3A_158] : memref<3x8x4096xf32, #tpu.memory_space<vmem>> -> memref<1x8x1024xf32, #tpu.memory_space<vmem>>
        %dma_start3A_670 = tpu.memref_squeeze %dma_start3A_669 : memref<1x8x1024xf32, #tpu.memory_space<vmem>> -> memref<8x1024xf32, #tpu.memory_space<vmem>>
        %dma_start3A_671 = arith.constant 0 : i32
        %dma_start3A_672 = tpu.memref_slice %arg2[%multiple_of3A, %dma_start3A_671] : memref<128x1024xf32, #tpu.memory_space<hbm>> -> memref<8x1024xf32, #tpu.memory_space<hbm>>
        tpu.enqueue_dma source(%dma_start3A_672 : memref<8x1024xf32, #tpu.memory_space<hbm>>) target(%dma_start3A_670 : memref<8x1024xf32, #tpu.memory_space<vmem>>) target_semaphore(%run_scoped3A_662 : memref<!tpu.dma_semaphore, #tpu.memory_space<semaphore_mem>>)
        %dma_wait3A_673 = arith.constant 0 : i32
        %dma_wait3A_674 = tpu.memref_slice %arg11[%run_scoped3A, %dma_wait3A_673, %multiple_of3A_158] : memref<3x8x4096xf32, #tpu.memory_space<vmem>> -> memref<1x8x1024xf32, #tpu.memory_space<vmem>>
        %dma_wait3A_675 = tpu.memref_squeeze %dma_wait3A_674 : memref<1x8x1024xf32, #tpu.memory_space<vmem>> -> memref<8x1024xf32, #tpu.memory_space<vmem>>
        %dma_wait3A_676 = arith.constant 0 : i32
        %dma_wait3A_677 = tpu.memref_slice %arg2[%multiple_of3A, %dma_wait3A_676] : memref<128x1024xf32, #tpu.memory_space<hbm>> -> memref<8x1024xf32, #tpu.memory_space<hbm>>
        %dma_wait3A_678 = arith.constant 0 : i32
        %dma_wait3A_679 = tpu.memref_slice %arg11[%run_scoped3A, %dma_wait3A_678, %multiple_of3A_158] : memref<3x8x4096xf32, #tpu.memory_space<vmem>> -> memref<1x8x1024xf32, #tpu.memory_space<vmem>>
        %dma_wait3A_680 = tpu.memref_squeeze %dma_wait3A_679 : memref<1x8x1024xf32, #tpu.memory_space<vmem>> -> memref<8x1024xf32, #tpu.memory_space<vmem>>
        %dma_wait3A_681 = arith.constant 0 : i32
        %dma_wait3A_682 = tpu.memref_slice %arg2[%multiple_of3A, %dma_wait3A_681] : memref<128x1024xf32, #tpu.memory_space<hbm>> -> memref<8x1024xf32, #tpu.memory_space<hbm>>
        tpu.wait_dma2 semaphore(%run_scoped3A_662 : memref<!tpu.dma_semaphore, #tpu.memory_space<semaphore_mem>>) src(%dma_wait3A_682 : memref<8x1024xf32, #tpu.memory_space<hbm>>) dst(%dma_wait3A_680 : memref<8x1024xf32, #tpu.memory_space<vmem>>)
        tpu.yield
      }) : () -> ()
    } else {
    }
    %add3A_248 = arith.constant 4096 : i32
    %add3A_249 = arith.addi %multiple_of3A_35, %add3A_248 : i32
    %dma_start3A_250 = arith.constant 1 : i32
    %dma_start3A_251 = arith.constant 1 : i32
    %dma_start3A_252 = arith.constant 0 : i32
    %dma_start3A_253 = arith.constant 0 : i32
    %dma_start3A_254 = tpu.memref_slice %arg11[%dma_start3A_250, %dma_start3A_252, %dma_start3A_253] : memref<3x8x4096xf32, #tpu.memory_space<vmem>> -> memref<1x8x4096xf32, #tpu.memory_space<vmem>>
    %dma_start3A_255 = tpu.memref_squeeze %dma_start3A_254 : memref<1x8x4096xf32, #tpu.memory_space<vmem>> -> memref<8x4096xf32, #tpu.memory_space<vmem>>
    %dma_start3A_256 = tpu.memref_slice %arg8[%multiple_of3A, %add3A_249] : memref<128x65536xf32, #tpu.memory_space<hbm>> -> memref<8x4096xf32, #tpu.memory_space<hbm>>
    %dma_start3A_257 = tpu.memref_slice %arg16[%dma_start3A_251] : memref<3x!tpu.dma_semaphore, #tpu.memory_space<semaphore_mem>> -> memref<1x!tpu.dma_semaphore, #tpu.memory_space<semaphore_mem>>
    %dma_start3A_258 = tpu.memref_squeeze %dma_start3A_257 : memref<1x!tpu.dma_semaphore, #tpu.memory_space<semaphore_mem>> -> memref<!tpu.dma_semaphore, #tpu.memory_space<semaphore_mem>>
    %dma_start3A_259 = tpu.memref_slice %arg8[%multiple_of3A, %add3A_249] : memref<128x65536xf32, #tpu.memory_space<hbm>> -> memref<8x4096xf32, #tpu.memory_space<hbm>>
    %dma_start3A_260 = arith.constant 0 : i32
    %dma_start3A_261 = arith.constant 0 : i32
    %dma_start3A_262 = tpu.memref_slice %arg11[%dma_start3A_250, %dma_start3A_260, %dma_start3A_261] : memref<3x8x4096xf32, #tpu.memory_space<vmem>> -> memref<1x8x4096xf32, #tpu.memory_space<vmem>>
    %dma_start3A_263 = tpu.memref_squeeze %dma_start3A_262 : memref<1x8x4096xf32, #tpu.memory_space<vmem>> -> memref<8x4096xf32, #tpu.memory_space<vmem>>
    tpu.enqueue_dma source(%dma_start3A_263 : memref<8x4096xf32, #tpu.memory_space<vmem>>) target(%dma_start3A_259 : memref<8x4096xf32, #tpu.memory_space<hbm>>) target_semaphore(%dma_start3A_258 : memref<!tpu.dma_semaphore, #tpu.memory_space<semaphore_mem>>)
    %add3A_264 = arith.constant 4096 : i32
    %add3A_265 = arith.addi %multiple_of3A_35, %add3A_264 : i32
    %dma_wait3A_266 = arith.constant 1 : i32
    %dma_wait3A_267 = arith.constant 1 : i32
    %dma_wait3A_268 = arith.constant 0 : i32
    %dma_wait3A_269 = arith.constant 0 : i32
    %dma_wait3A_270 = tpu.memref_slice %arg11[%dma_wait3A_266, %dma_wait3A_268, %dma_wait3A_269] : memref<3x8x4096xf32, #tpu.memory_space<vmem>> -> memref<1x8x4096xf32, #tpu.memory_space<vmem>>
    %dma_wait3A_271 = tpu.memref_squeeze %dma_wait3A_270 : memref<1x8x4096xf32, #tpu.memory_space<vmem>> -> memref<8x4096xf32, #tpu.memory_space<vmem>>
    %dma_wait3A_272 = tpu.memref_slice %arg8[%multiple_of3A, %add3A_265] : memref<128x65536xf32, #tpu.memory_space<hbm>> -> memref<8x4096xf32, #tpu.memory_space<hbm>>
    %dma_wait3A_273 = tpu.memref_slice %arg16[%dma_wait3A_267] : memref<3x!tpu.dma_semaphore, #tpu.memory_space<semaphore_mem>> -> memref<1x!tpu.dma_semaphore, #tpu.memory_space<semaphore_mem>>
    %dma_wait3A_274 = tpu.memref_squeeze %dma_wait3A_273 : memref<1x!tpu.dma_semaphore, #tpu.memory_space<semaphore_mem>> -> memref<!tpu.dma_semaphore, #tpu.memory_space<semaphore_mem>>
    %dma_wait3A_275 = tpu.memref_slice %arg8[%multiple_of3A, %add3A_265] : memref<128x65536xf32, #tpu.memory_space<hbm>> -> memref<8x4096xf32, #tpu.memory_space<hbm>>
    %dma_wait3A_276 = arith.constant 0 : i32
    %dma_wait3A_277 = arith.constant 0 : i32
    %dma_wait3A_278 = tpu.memref_slice %arg11[%dma_wait3A_266, %dma_wait3A_276, %dma_wait3A_277] : memref<3x8x4096xf32, #tpu.memory_space<vmem>> -> memref<1x8x4096xf32, #tpu.memory_space<vmem>>
    %dma_wait3A_279 = tpu.memref_squeeze %dma_wait3A_278 : memref<1x8x4096xf32, #tpu.memory_space<vmem>> -> memref<8x4096xf32, #tpu.memory_space<vmem>>
    tpu.wait_dma2 semaphore(%dma_wait3A_274 : memref<!tpu.dma_semaphore, #tpu.memory_space<semaphore_mem>>) src(%dma_wait3A_279 : memref<8x4096xf32, #tpu.memory_space<vmem>>) dst(%dma_wait3A_275 : memref<8x4096xf32, #tpu.memory_space<hbm>>)
    %add3A_280 = arith.constant 16384 : i32
    %add3A_281 = arith.addi %multiple_of3A_35, %add3A_280 : i32
    %dma_start3A_282 = arith.constant 1 : i32
    %dma_start3A_283 = arith.constant 1 : i32
    %dma_start3A_284 = arith.constant 0 : i32
    %dma_start3A_285 = arith.constant 0 : i32
    %dma_start3A_286 = tpu.memref_slice %arg11[%dma_start3A_282, %dma_start3A_284, %dma_start3A_285] : memref<3x8x4096xf32, #tpu.memory_space<vmem>> -> memref<1x8x4096xf32, #tpu.memory_space<vmem>>
    %dma_start3A_287 = tpu.memref_squeeze %dma_start3A_286 : memref<1x8x4096xf32, #tpu.memory_space<vmem>> -> memref<8x4096xf32, #tpu.memory_space<vmem>>
    %dma_start3A_288 = tpu.memref_slice %arg4[%multiple_of3A, %add3A_281] : memref<128x65536xf32, #tpu.memory_space<hbm>> -> memref<8x4096xf32, #tpu.memory_space<hbm>>
    %dma_start3A_289 = tpu.memref_slice %arg15[%dma_start3A_283] : memref<3x!tpu.dma_semaphore, #tpu.memory_space<semaphore_mem>> -> memref<1x!tpu.dma_semaphore, #tpu.memory_space<semaphore_mem>>
    %dma_start3A_290 = tpu.memref_squeeze %dma_start3A_289 : memref<1x!tpu.dma_semaphore, #tpu.memory_space<semaphore_mem>> -> memref<!tpu.dma_semaphore, #tpu.memory_space<semaphore_mem>>
    %dma_start3A_291 = arith.constant 0 : i32
    %dma_start3A_292 = arith.constant 0 : i32
    %dma_start3A_293 = tpu.memref_slice %arg11[%dma_start3A_282, %dma_start3A_291, %dma_start3A_292] : memref<3x8x4096xf32, #tpu.memory_space<vmem>> -> memref<1x8x4096xf32, #tpu.memory_space<vmem>>
    %dma_start3A_294 = tpu.memref_squeeze %dma_start3A_293 : memref<1x8x4096xf32, #tpu.memory_space<vmem>> -> memref<8x4096xf32, #tpu.memory_space<vmem>>
    %dma_start3A_295 = tpu.memref_slice %arg4[%multiple_of3A, %add3A_281] : memref<128x65536xf32, #tpu.memory_space<hbm>> -> memref<8x4096xf32, #tpu.memory_space<hbm>>
    tpu.enqueue_dma source(%dma_start3A_295 : memref<8x4096xf32, #tpu.memory_space<hbm>>) target(%dma_start3A_294 : memref<8x4096xf32, #tpu.memory_space<vmem>>) target_semaphore(%dma_start3A_290 : memref<!tpu.dma_semaphore, #tpu.memory_space<semaphore_mem>>)
    %add3A_296 = arith.constant 8192 : i32
    %add3A_297 = arith.addi %multiple_of3A_35, %add3A_296 : i32
    %dma_wait3A_298 = arith.constant 2 : i32
    %dma_wait3A_299 = arith.constant 2 : i32
    %dma_wait3A_300 = arith.constant 0 : i32
    %dma_wait3A_301 = arith.constant 0 : i32
    %dma_wait3A_302 = tpu.memref_slice %arg11[%dma_wait3A_298, %dma_wait3A_300, %dma_wait3A_301] : memref<3x8x4096xf32, #tpu.memory_space<vmem>> -> memref<1x8x4096xf32, #tpu.memory_space<vmem>>
    %dma_wait3A_303 = tpu.memref_squeeze %dma_wait3A_302 : memref<1x8x4096xf32, #tpu.memory_space<vmem>> -> memref<8x4096xf32, #tpu.memory_space<vmem>>
    %dma_wait3A_304 = tpu.memref_slice %arg4[%multiple_of3A, %add3A_297] : memref<128x65536xf32, #tpu.memory_space<hbm>> -> memref<8x4096xf32, #tpu.memory_space<hbm>>
    %dma_wait3A_305 = tpu.memref_slice %arg15[%dma_wait3A_299] : memref<3x!tpu.dma_semaphore, #tpu.memory_space<semaphore_mem>> -> memref<1x!tpu.dma_semaphore, #tpu.memory_space<semaphore_mem>>
    %dma_wait3A_306 = tpu.memref_squeeze %dma_wait3A_305 : memref<1x!tpu.dma_semaphore, #tpu.memory_space<semaphore_mem>> -> memref<!tpu.dma_semaphore, #tpu.memory_space<semaphore_mem>>
    %dma_wait3A_307 = arith.constant 0 : i32
    %dma_wait3A_308 = arith.constant 0 : i32
    %dma_wait3A_309 = tpu.memref_slice %arg11[%dma_wait3A_298, %dma_wait3A_307, %dma_wait3A_308] : memref<3x8x4096xf32, #tpu.memory_space<vmem>> -> memref<1x8x4096xf32, #tpu.memory_space<vmem>>
    %dma_wait3A_310 = tpu.memref_squeeze %dma_wait3A_309 : memref<1x8x4096xf32, #tpu.memory_space<vmem>> -> memref<8x4096xf32, #tpu.memory_space<vmem>>
    %dma_wait3A_311 = tpu.memref_slice %arg4[%multiple_of3A, %add3A_297] : memref<128x65536xf32, #tpu.memory_space<hbm>> -> memref<8x4096xf32, #tpu.memory_space<hbm>>
    tpu.wait_dma2 semaphore(%dma_wait3A_306 : memref<!tpu.dma_semaphore, #tpu.memory_space<semaphore_mem>>) src(%dma_wait3A_311 : memref<8x4096xf32, #tpu.memory_space<hbm>>) dst(%dma_wait3A_310 : memref<8x4096xf32, #tpu.memory_space<vmem>>)
    %eq3A_312 = arith.constant 2 : i32
    %eq3A_313 = arith.cmpi eq, %select_n3A_130, %eq3A_312 : i32
    %convert_element_type3A_314 = arith.extui %eq3A_313 : i1 to i32
    %cond3A_315 = arith.constant 0 : i32
    %cond3A_316 = arith.cmpi ne, %convert_element_type3A_314, %cond3A_315 : i32
    scf.if %cond3A_316 {
      %run_scoped3A = arith.constant 2 : i32
      "tpu.region"() ({
        %run_scoped3A_662 = tpu.sem_alloc : memref<!tpu.dma_semaphore, #tpu.memory_space<semaphore_mem>>
        %dma_start3A_663 = arith.constant 0 : i32
        %dma_start3A_664 = tpu.memref_slice %arg11[%run_scoped3A, %dma_start3A_663, %multiple_of3A_158] : memref<3x8x4096xf32, #tpu.memory_space<vmem>> -> memref<1x8x1024xf32, #tpu.memory_space<vmem>>
        %dma_start3A_665 = tpu.memref_squeeze %dma_start3A_664 : memref<1x8x1024xf32, #tpu.memory_space<vmem>> -> memref<8x1024xf32, #tpu.memory_space<vmem>>
        %dma_start3A_666 = arith.constant 0 : i32
        %dma_start3A_667 = tpu.memref_slice %arg2[%multiple_of3A, %dma_start3A_666] : memref<128x1024xf32, #tpu.memory_space<hbm>> -> memref<8x1024xf32, #tpu.memory_space<hbm>>
        %dma_start3A_668 = arith.constant 0 : i32
        %dma_start3A_669 = tpu.memref_slice %arg11[%run_scoped3A, %dma_start3A_668, %multiple_of3A_158] : memref<3x8x4096xf32, #tpu.memory_space<vmem>> -> memref<1x8x1024xf32, #tpu.memory_space<vmem>>
        %dma_start3A_670 = tpu.memref_squeeze %dma_start3A_669 : memref<1x8x1024xf32, #tpu.memory_space<vmem>> -> memref<8x1024xf32, #tpu.memory_space<vmem>>
        %dma_start3A_671 = arith.constant 0 : i32
        %dma_start3A_672 = tpu.memref_slice %arg2[%multiple_of3A, %dma_start3A_671] : memref<128x1024xf32, #tpu.memory_space<hbm>> -> memref<8x1024xf32, #tpu.memory_space<hbm>>
        tpu.enqueue_dma source(%dma_start3A_672 : memref<8x1024xf32, #tpu.memory_space<hbm>>) target(%dma_start3A_670 : memref<8x1024xf32, #tpu.memory_space<vmem>>) target_semaphore(%run_scoped3A_662 : memref<!tpu.dma_semaphore, #tpu.memory_space<semaphore_mem>>)
        %dma_wait3A_673 = arith.constant 0 : i32
        %dma_wait3A_674 = tpu.memref_slice %arg11[%run_scoped3A, %dma_wait3A_673, %multiple_of3A_158] : memref<3x8x4096xf32, #tpu.memory_space<vmem>> -> memref<1x8x1024xf32, #tpu.memory_space<vmem>>
        %dma_wait3A_675 = tpu.memref_squeeze %dma_wait3A_674 : memref<1x8x1024xf32, #tpu.memory_space<vmem>> -> memref<8x1024xf32, #tpu.memory_space<vmem>>
        %dma_wait3A_676 = arith.constant 0 : i32
        %dma_wait3A_677 = tpu.memref_slice %arg2[%multiple_of3A, %dma_wait3A_676] : memref<128x1024xf32, #tpu.memory_space<hbm>> -> memref<8x1024xf32, #tpu.memory_space<hbm>>
        %dma_wait3A_678 = arith.constant 0 : i32
        %dma_wait3A_679 = tpu.memref_slice %arg11[%run_scoped3A, %dma_wait3A_678, %multiple_of3A_158] : memref<3x8x4096xf32, #tpu.memory_space<vmem>> -> memref<1x8x1024xf32, #tpu.memory_space<vmem>>
        %dma_wait3A_680 = tpu.memref_squeeze %dma_wait3A_679 : memref<1x8x1024xf32, #tpu.memory_space<vmem>> -> memref<8x1024xf32, #tpu.memory_space<vmem>>
        %dma_wait3A_681 = arith.constant 0 : i32
        %dma_wait3A_682 = tpu.memref_slice %arg2[%multiple_of3A, %dma_wait3A_681] : memref<128x1024xf32, #tpu.memory_space<hbm>> -> memref<8x1024xf32, #tpu.memory_space<hbm>>
        tpu.wait_dma2 semaphore(%run_scoped3A_662 : memref<!tpu.dma_semaphore, #tpu.memory_space<semaphore_mem>>) src(%dma_wait3A_682 : memref<8x1024xf32, #tpu.memory_space<hbm>>) dst(%dma_wait3A_680 : memref<8x1024xf32, #tpu.memory_space<vmem>>)
        tpu.yield
      }) : () -> ()
    } else {
    }
    %add3A_317 = arith.constant 8192 : i32
    %add3A_318 = arith.addi %multiple_of3A_35, %add3A_317 : i32
    %dma_start3A_319 = arith.constant 2 : i32
    %dma_start3A_320 = arith.constant 2 : i32
    %dma_start3A_321 = arith.constant 0 : i32
    %dma_start3A_322 = arith.constant 0 : i32
    %dma_start3A_323 = tpu.memref_slice %arg11[%dma_start3A_319, %dma_start3A_321, %dma_start3A_322] : memref<3x8x4096xf32, #tpu.memory_space<vmem>> -> memref<1x8x4096xf32, #tpu.memory_space<vmem>>
    %dma_start3A_324 = tpu.memref_squeeze %dma_start3A_323 : memref<1x8x4096xf32, #tpu.memory_space<vmem>> -> memref<8x4096xf32, #tpu.memory_space<vmem>>
    %dma_start3A_325 = tpu.memref_slice %arg8[%multiple_of3A, %add3A_318] : memref<128x65536xf32, #tpu.memory_space<hbm>> -> memref<8x4096xf32, #tpu.memory_space<hbm>>
    %dma_start3A_326 = tpu.memref_slice %arg16[%dma_start3A_320] : memref<3x!tpu.dma_semaphore, #tpu.memory_space<semaphore_mem>> -> memref<1x!tpu.dma_semaphore, #tpu.memory_space<semaphore_mem>>
    %dma_start3A_327 = tpu.memref_squeeze %dma_start3A_326 : memref<1x!tpu.dma_semaphore, #tpu.memory_space<semaphore_mem>> -> memref<!tpu.dma_semaphore, #tpu.memory_space<semaphore_mem>>
    %dma_start3A_328 = tpu.memref_slice %arg8[%multiple_of3A, %add3A_318] : memref<128x65536xf32, #tpu.memory_space<hbm>> -> memref<8x4096xf32, #tpu.memory_space<hbm>>
    %dma_start3A_329 = arith.constant 0 : i32
    %dma_start3A_330 = arith.constant 0 : i32
    %dma_start3A_331 = tpu.memref_slice %arg11[%dma_start3A_319, %dma_start3A_329, %dma_start3A_330] : memref<3x8x4096xf32, #tpu.memory_space<vmem>> -> memref<1x8x4096xf32, #tpu.memory_space<vmem>>
    %dma_start3A_332 = tpu.memref_squeeze %dma_start3A_331 : memref<1x8x4096xf32, #tpu.memory_space<vmem>> -> memref<8x4096xf32, #tpu.memory_space<vmem>>
    tpu.enqueue_dma source(%dma_start3A_332 : memref<8x4096xf32, #tpu.memory_space<vmem>>) target(%dma_start3A_328 : memref<8x4096xf32, #tpu.memory_space<hbm>>) target_semaphore(%dma_start3A_327 : memref<!tpu.dma_semaphore, #tpu.memory_space<semaphore_mem>>)
    %add3A_333 = arith.constant 8192 : i32
    %add3A_334 = arith.addi %multiple_of3A_35, %add3A_333 : i32
    %dma_wait3A_335 = arith.constant 2 : i32
    %dma_wait3A_336 = arith.constant 2 : i32
    %dma_wait3A_337 = arith.constant 0 : i32
    %dma_wait3A_338 = arith.constant 0 : i32
    %dma_wait3A_339 = tpu.memref_slice %arg11[%dma_wait3A_335, %dma_wait3A_337, %dma_wait3A_338] : memref<3x8x4096xf32, #tpu.memory_space<vmem>> -> memref<1x8x4096xf32, #tpu.memory_space<vmem>>
    %dma_wait3A_340 = tpu.memref_squeeze %dma_wait3A_339 : memref<1x8x4096xf32, #tpu.memory_space<vmem>> -> memref<8x4096xf32, #tpu.memory_space<vmem>>
    %dma_wait3A_341 = tpu.memref_slice %arg8[%multiple_of3A, %add3A_334] : memref<128x65536xf32, #tpu.memory_space<hbm>> -> memref<8x4096xf32, #tpu.memory_space<hbm>>
    %dma_wait3A_342 = tpu.memref_slice %arg16[%dma_wait3A_336] : memref<3x!tpu.dma_semaphore, #tpu.memory_space<semaphore_mem>> -> memref<1x!tpu.dma_semaphore, #tpu.memory_space<semaphore_mem>>
    %dma_wait3A_343 = tpu.memref_squeeze %dma_wait3A_342 : memref<1x!tpu.dma_semaphore, #tpu.memory_space<semaphore_mem>> -> memref<!tpu.dma_semaphore, #tpu.memory_space<semaphore_mem>>
    %dma_wait3A_344 = tpu.memref_slice %arg8[%multiple_of3A, %add3A_334] : memref<128x65536xf32, #tpu.memory_space<hbm>> -> memref<8x4096xf32, #tpu.memory_space<hbm>>
    %dma_wait3A_345 = arith.constant 0 : i32
    %dma_wait3A_346 = arith.constant 0 : i32
    %dma_wait3A_347 = tpu.memref_slice %arg11[%dma_wait3A_335, %dma_wait3A_345, %dma_wait3A_346] : memref<3x8x4096xf32, #tpu.memory_space<vmem>> -> memref<1x8x4096xf32, #tpu.memory_space<vmem>>
    %dma_wait3A_348 = tpu.memref_squeeze %dma_wait3A_347 : memref<1x8x4096xf32, #tpu.memory_space<vmem>> -> memref<8x4096xf32, #tpu.memory_space<vmem>>
    tpu.wait_dma2 semaphore(%dma_wait3A_343 : memref<!tpu.dma_semaphore, #tpu.memory_space<semaphore_mem>>) src(%dma_wait3A_348 : memref<8x4096xf32, #tpu.memory_space<vmem>>) dst(%dma_wait3A_344 : memref<8x4096xf32, #tpu.memory_space<hbm>>)
    %add3A_349 = arith.constant 20480 : i32
    %add3A_350 = arith.addi %multiple_of3A_35, %add3A_349 : i32
    %dma_start3A_351 = arith.constant 2 : i32
    %dma_start3A_352 = arith.constant 2 : i32
    %dma_start3A_353 = arith.constant 0 : i32
    %dma_start3A_354 = arith.constant 0 : i32
    %dma_start3A_355 = tpu.memref_slice %arg11[%dma_start3A_351, %dma_start3A_353, %dma_start3A_354] : memref<3x8x4096xf32, #tpu.memory_space<vmem>> -> memref<1x8x4096xf32, #tpu.memory_space<vmem>>
    %dma_start3A_356 = tpu.memref_squeeze %dma_start3A_355 : memref<1x8x4096xf32, #tpu.memory_space<vmem>> -> memref<8x4096xf32, #tpu.memory_space<vmem>>
    %dma_start3A_357 = tpu.memref_slice %arg4[%multiple_of3A, %add3A_350] : memref<128x65536xf32, #tpu.memory_space<hbm>> -> memref<8x4096xf32, #tpu.memory_space<hbm>>
    %dma_start3A_358 = tpu.memref_slice %arg15[%dma_start3A_352] : memref<3x!tpu.dma_semaphore, #tpu.memory_space<semaphore_mem>> -> memref<1x!tpu.dma_semaphore, #tpu.memory_space<semaphore_mem>>
    %dma_start3A_359 = tpu.memref_squeeze %dma_start3A_358 : memref<1x!tpu.dma_semaphore, #tpu.memory_space<semaphore_mem>> -> memref<!tpu.dma_semaphore, #tpu.memory_space<semaphore_mem>>
    %dma_start3A_360 = arith.constant 0 : i32
    %dma_start3A_361 = arith.constant 0 : i32
    %dma_start3A_362 = tpu.memref_slice %arg11[%dma_start3A_351, %dma_start3A_360, %dma_start3A_361] : memref<3x8x4096xf32, #tpu.memory_space<vmem>> -> memref<1x8x4096xf32, #tpu.memory_space<vmem>>
    %dma_start3A_363 = tpu.memref_squeeze %dma_start3A_362 : memref<1x8x4096xf32, #tpu.memory_space<vmem>> -> memref<8x4096xf32, #tpu.memory_space<vmem>>
    %dma_start3A_364 = tpu.memref_slice %arg4[%multiple_of3A, %add3A_350] : memref<128x65536xf32, #tpu.memory_space<hbm>> -> memref<8x4096xf32, #tpu.memory_space<hbm>>
    tpu.enqueue_dma source(%dma_start3A_364 : memref<8x4096xf32, #tpu.memory_space<hbm>>) target(%dma_start3A_363 : memref<8x4096xf32, #tpu.memory_space<vmem>>) target_semaphore(%dma_start3A_359 : memref<!tpu.dma_semaphore, #tpu.memory_space<semaphore_mem>>)
    %add3A_365 = arith.constant 12288 : i32
    %add3A_366 = arith.addi %multiple_of3A_35, %add3A_365 : i32
    %dma_wait3A_367 = arith.constant 0 : i32
    %dma_wait3A_368 = arith.constant 0 : i32
    %dma_wait3A_369 = arith.constant 0 : i32
    %dma_wait3A_370 = arith.constant 0 : i32
    %dma_wait3A_371 = tpu.memref_slice %arg11[%dma_wait3A_367, %dma_wait3A_369, %dma_wait3A_370] : memref<3x8x4096xf32, #tpu.memory_space<vmem>> -> memref<1x8x4096xf32, #tpu.memory_space<vmem>>
    %dma_wait3A_372 = tpu.memref_squeeze %dma_wait3A_371 : memref<1x8x4096xf32, #tpu.memory_space<vmem>> -> memref<8x4096xf32, #tpu.memory_space<vmem>>
    %dma_wait3A_373 = tpu.memref_slice %arg4[%multiple_of3A, %add3A_366] : memref<128x65536xf32, #tpu.memory_space<hbm>> -> memref<8x4096xf32, #tpu.memory_space<hbm>>
    %dma_wait3A_374 = tpu.memref_slice %arg15[%dma_wait3A_368] : memref<3x!tpu.dma_semaphore, #tpu.memory_space<semaphore_mem>> -> memref<1x!tpu.dma_semaphore, #tpu.memory_space<semaphore_mem>>
    %dma_wait3A_375 = tpu.memref_squeeze %dma_wait3A_374 : memref<1x!tpu.dma_semaphore, #tpu.memory_space<semaphore_mem>> -> memref<!tpu.dma_semaphore, #tpu.memory_space<semaphore_mem>>
    %dma_wait3A_376 = arith.constant 0 : i32
    %dma_wait3A_377 = arith.constant 0 : i32
    %dma_wait3A_378 = tpu.memref_slice %arg11[%dma_wait3A_367, %dma_wait3A_376, %dma_wait3A_377] : memref<3x8x4096xf32, #tpu.memory_space<vmem>> -> memref<1x8x4096xf32, #tpu.memory_space<vmem>>
    %dma_wait3A_379 = tpu.memref_squeeze %dma_wait3A_378 : memref<1x8x4096xf32, #tpu.memory_space<vmem>> -> memref<8x4096xf32, #tpu.memory_space<vmem>>
    %dma_wait3A_380 = tpu.memref_slice %arg4[%multiple_of3A, %add3A_366] : memref<128x65536xf32, #tpu.memory_space<hbm>> -> memref<8x4096xf32, #tpu.memory_space<hbm>>
    tpu.wait_dma2 semaphore(%dma_wait3A_375 : memref<!tpu.dma_semaphore, #tpu.memory_space<semaphore_mem>>) src(%dma_wait3A_380 : memref<8x4096xf32, #tpu.memory_space<hbm>>) dst(%dma_wait3A_379 : memref<8x4096xf32, #tpu.memory_space<vmem>>)
    %eq3A_381 = arith.constant 3 : i32
    %eq3A_382 = arith.cmpi eq, %select_n3A_130, %eq3A_381 : i32
    %convert_element_type3A_383 = arith.extui %eq3A_382 : i1 to i32
    %cond3A_384 = arith.constant 0 : i32
    %cond3A_385 = arith.cmpi ne, %convert_element_type3A_383, %cond3A_384 : i32
    scf.if %cond3A_385 {
      %run_scoped3A = arith.constant 0 : i32
      "tpu.region"() ({
        %run_scoped3A_662 = tpu.sem_alloc : memref<!tpu.dma_semaphore, #tpu.memory_space<semaphore_mem>>
        %dma_start3A_663 = arith.constant 0 : i32
        %dma_start3A_664 = tpu.memref_slice %arg11[%run_scoped3A, %dma_start3A_663, %multiple_of3A_158] : memref<3x8x4096xf32, #tpu.memory_space<vmem>> -> memref<1x8x1024xf32, #tpu.memory_space<vmem>>
        %dma_start3A_665 = tpu.memref_squeeze %dma_start3A_664 : memref<1x8x1024xf32, #tpu.memory_space<vmem>> -> memref<8x1024xf32, #tpu.memory_space<vmem>>
        %dma_start3A_666 = arith.constant 0 : i32
        %dma_start3A_667 = tpu.memref_slice %arg2[%multiple_of3A, %dma_start3A_666] : memref<128x1024xf32, #tpu.memory_space<hbm>> -> memref<8x1024xf32, #tpu.memory_space<hbm>>
        %dma_start3A_668 = arith.constant 0 : i32
        %dma_start3A_669 = tpu.memref_slice %arg11[%run_scoped3A, %dma_start3A_668, %multiple_of3A_158] : memref<3x8x4096xf32, #tpu.memory_space<vmem>> -> memref<1x8x1024xf32, #tpu.memory_space<vmem>>
        %dma_start3A_670 = tpu.memref_squeeze %dma_start3A_669 : memref<1x8x1024xf32, #tpu.memory_space<vmem>> -> memref<8x1024xf32, #tpu.memory_space<vmem>>
        %dma_start3A_671 = arith.constant 0 : i32
        %dma_start3A_672 = tpu.memref_slice %arg2[%multiple_of3A, %dma_start3A_671] : memref<128x1024xf32, #tpu.memory_space<hbm>> -> memref<8x1024xf32, #tpu.memory_space<hbm>>
        tpu.enqueue_dma source(%dma_start3A_672 : memref<8x1024xf32, #tpu.memory_space<hbm>>) target(%dma_start3A_670 : memref<8x1024xf32, #tpu.memory_space<vmem>>) target_semaphore(%run_scoped3A_662 : memref<!tpu.dma_semaphore, #tpu.memory_space<semaphore_mem>>)
        %dma_wait3A_673 = arith.constant 0 : i32
        %dma_wait3A_674 = tpu.memref_slice %arg11[%run_scoped3A, %dma_wait3A_673, %multiple_of3A_158] : memref<3x8x4096xf32, #tpu.memory_space<vmem>> -> memref<1x8x1024xf32, #tpu.memory_space<vmem>>
        %dma_wait3A_675 = tpu.memref_squeeze %dma_wait3A_674 : memref<1x8x1024xf32, #tpu.memory_space<vmem>> -> memref<8x1024xf32, #tpu.memory_space<vmem>>
        %dma_wait3A_676 = arith.constant 0 : i32
        %dma_wait3A_677 = tpu.memref_slice %arg2[%multiple_of3A, %dma_wait3A_676] : memref<128x1024xf32, #tpu.memory_space<hbm>> -> memref<8x1024xf32, #tpu.memory_space<hbm>>
        %dma_wait3A_678 = arith.constant 0 : i32
        %dma_wait3A_679 = tpu.memref_slice %arg11[%run_scoped3A, %dma_wait3A_678, %multiple_of3A_158] : memref<3x8x4096xf32, #tpu.memory_space<vmem>> -> memref<1x8x1024xf32, #tpu.memory_space<vmem>>
        %dma_wait3A_680 = tpu.memref_squeeze %dma_wait3A_679 : memref<1x8x1024xf32, #tpu.memory_space<vmem>> -> memref<8x1024xf32, #tpu.memory_space<vmem>>
        %dma_wait3A_681 = arith.constant 0 : i32
        %dma_wait3A_682 = tpu.memref_slice %arg2[%multiple_of3A, %dma_wait3A_681] : memref<128x1024xf32, #tpu.memory_space<hbm>> -> memref<8x1024xf32, #tpu.memory_space<hbm>>
        tpu.wait_dma2 semaphore(%run_scoped3A_662 : memref<!tpu.dma_semaphore, #tpu.memory_space<semaphore_mem>>) src(%dma_wait3A_682 : memref<8x1024xf32, #tpu.memory_space<hbm>>) dst(%dma_wait3A_680 : memref<8x1024xf32, #tpu.memory_space<vmem>>)
        tpu.yield
      }) : () -> ()
    } else {
    }
    %add3A_386 = arith.constant 12288 : i32
    %add3A_387 = arith.addi %multiple_of3A_35, %add3A_386 : i32
    %dma_start3A_388 = arith.constant 0 : i32
    %dma_start3A_389 = arith.constant 0 : i32
    %dma_start3A_390 = arith.constant 0 : i32
    %dma_start3A_391 = arith.constant 0 : i32
    %dma_start3A_392 = tpu.memref_slice %arg11[%dma_start3A_388, %dma_start3A_390, %dma_start3A_391] : memref<3x8x4096xf32, #tpu.memory_space<vmem>> -> memref<1x8x4096xf32, #tpu.memory_space<vmem>>
    %dma_start3A_393 = tpu.memref_squeeze %dma_start3A_392 : memref<1x8x4096xf32, #tpu.memory_space<vmem>> -> memref<8x4096xf32, #tpu.memory_space<vmem>>
    %dma_start3A_394 = tpu.memref_slice %arg8[%multiple_of3A, %add3A_387] : memref<128x65536xf32, #tpu.memory_space<hbm>> -> memref<8x4096xf32, #tpu.memory_space<hbm>>
    %dma_start3A_395 = tpu.memref_slice %arg16[%dma_start3A_389] : memref<3x!tpu.dma_semaphore, #tpu.memory_space<semaphore_mem>> -> memref<1x!tpu.dma_semaphore, #tpu.memory_space<semaphore_mem>>
    %dma_start3A_396 = tpu.memref_squeeze %dma_start3A_395 : memref<1x!tpu.dma_semaphore, #tpu.memory_space<semaphore_mem>> -> memref<!tpu.dma_semaphore, #tpu.memory_space<semaphore_mem>>
    %dma_start3A_397 = tpu.memref_slice %arg8[%multiple_of3A, %add3A_387] : memref<128x65536xf32, #tpu.memory_space<hbm>> -> memref<8x4096xf32, #tpu.memory_space<hbm>>
    %dma_start3A_398 = arith.constant 0 : i32
    %dma_start3A_399 = arith.constant 0 : i32
    %dma_start3A_400 = tpu.memref_slice %arg11[%dma_start3A_388, %dma_start3A_398, %dma_start3A_399] : memref<3x8x4096xf32, #tpu.memory_space<vmem>> -> memref<1x8x4096xf32, #tpu.memory_space<vmem>>
    %dma_start3A_401 = tpu.memref_squeeze %dma_start3A_400 : memref<1x8x4096xf32, #tpu.memory_space<vmem>> -> memref<8x4096xf32, #tpu.memory_space<vmem>>
    tpu.enqueue_dma source(%dma_start3A_401 : memref<8x4096xf32, #tpu.memory_space<vmem>>) target(%dma_start3A_397 : memref<8x4096xf32, #tpu.memory_space<hbm>>) target_semaphore(%dma_start3A_396 : memref<!tpu.dma_semaphore, #tpu.memory_space<semaphore_mem>>)
    %add3A_402 = arith.constant 12288 : i32
    %add3A_403 = arith.addi %multiple_of3A_35, %add3A_402 : i32
    %dma_wait3A_404 = arith.constant 0 : i32
    %dma_wait3A_405 = arith.constant 0 : i32
    %dma_wait3A_406 = arith.constant 0 : i32
    %dma_wait3A_407 = arith.constant 0 : i32
    %dma_wait3A_408 = tpu.memref_slice %arg11[%dma_wait3A_404, %dma_wait3A_406, %dma_wait3A_407] : memref<3x8x4096xf32, #tpu.memory_space<vmem>> -> memref<1x8x4096xf32, #tpu.memory_space<vmem>>
    %dma_wait3A_409 = tpu.memref_squeeze %dma_wait3A_408 : memref<1x8x4096xf32, #tpu.memory_space<vmem>> -> memref<8x4096xf32, #tpu.memory_space<vmem>>
    %dma_wait3A_410 = tpu.memref_slice %arg8[%multiple_of3A, %add3A_403] : memref<128x65536xf32, #tpu.memory_space<hbm>> -> memref<8x4096xf32, #tpu.memory_space<hbm>>
    %dma_wait3A_411 = tpu.memref_slice %arg16[%dma_wait3A_405] : memref<3x!tpu.dma_semaphore, #tpu.memory_space<semaphore_mem>> -> memref<1x!tpu.dma_semaphore, #tpu.memory_space<semaphore_mem>>
    %dma_wait3A_412 = tpu.memref_squeeze %dma_wait3A_411 : memref<1x!tpu.dma_semaphore, #tpu.memory_space<semaphore_mem>> -> memref<!tpu.dma_semaphore, #tpu.memory_space<semaphore_mem>>
    %dma_wait3A_413 = tpu.memref_slice %arg8[%multiple_of3A, %add3A_403] : memref<128x65536xf32, #tpu.memory_space<hbm>> -> memref<8x4096xf32, #tpu.memory_space<hbm>>
    %dma_wait3A_414 = arith.constant 0 : i32
    %dma_wait3A_415 = arith.constant 0 : i32
    %dma_wait3A_416 = tpu.memref_slice %arg11[%dma_wait3A_404, %dma_wait3A_414, %dma_wait3A_415] : memref<3x8x4096xf32, #tpu.memory_space<vmem>> -> memref<1x8x4096xf32, #tpu.memory_space<vmem>>
    %dma_wait3A_417 = tpu.memref_squeeze %dma_wait3A_416 : memref<1x8x4096xf32, #tpu.memory_space<vmem>> -> memref<8x4096xf32, #tpu.memory_space<vmem>>
    tpu.wait_dma2 semaphore(%dma_wait3A_412 : memref<!tpu.dma_semaphore, #tpu.memory_space<semaphore_mem>>) src(%dma_wait3A_417 : memref<8x4096xf32, #tpu.memory_space<vmem>>) dst(%dma_wait3A_413 : memref<8x4096xf32, #tpu.memory_space<hbm>>)
    %add3A_418 = arith.constant 24576 : i32
    %add3A_419 = arith.addi %multiple_of3A_35, %add3A_418 : i32
    %dma_start3A_420 = arith.constant 0 : i32
    %dma_start3A_421 = arith.constant 0 : i32
    %dma_start3A_422 = arith.constant 0 : i32
    %dma_start3A_423 = arith.constant 0 : i32
    %dma_start3A_424 = tpu.memref_slice %arg11[%dma_start3A_420, %dma_start3A_422, %dma_start3A_423] : memref<3x8x4096xf32, #tpu.memory_space<vmem>> -> memref<1x8x4096xf32, #tpu.memory_space<vmem>>
    %dma_start3A_425 = tpu.memref_squeeze %dma_start3A_424 : memref<1x8x4096xf32, #tpu.memory_space<vmem>> -> memref<8x4096xf32, #tpu.memory_space<vmem>>
    %dma_start3A_426 = tpu.memref_slice %arg4[%multiple_of3A, %add3A_419] : memref<128x65536xf32, #tpu.memory_space<hbm>> -> memref<8x4096xf32, #tpu.memory_space<hbm>>
    %dma_start3A_427 = tpu.memref_slice %arg15[%dma_start3A_421] : memref<3x!tpu.dma_semaphore, #tpu.memory_space<semaphore_mem>> -> memref<1x!tpu.dma_semaphore, #tpu.memory_space<semaphore_mem>>
    %dma_start3A_428 = tpu.memref_squeeze %dma_start3A_427 : memref<1x!tpu.dma_semaphore, #tpu.memory_space<semaphore_mem>> -> memref<!tpu.dma_semaphore, #tpu.memory_space<semaphore_mem>>
    %dma_start3A_429 = arith.constant 0 : i32
    %dma_start3A_430 = arith.constant 0 : i32
    %dma_start3A_431 = tpu.memref_slice %arg11[%dma_start3A_420, %dma_start3A_429, %dma_start3A_430] : memref<3x8x4096xf32, #tpu.memory_space<vmem>> -> memref<1x8x4096xf32, #tpu.memory_space<vmem>>
    %dma_start3A_432 = tpu.memref_squeeze %dma_start3A_431 : memref<1x8x4096xf32, #tpu.memory_space<vmem>> -> memref<8x4096xf32, #tpu.memory_space<vmem>>
    %dma_start3A_433 = tpu.memref_slice %arg4[%multiple_of3A, %add3A_419] : memref<128x65536xf32, #tpu.memory_space<hbm>> -> memref<8x4096xf32, #tpu.memory_space<hbm>>
    tpu.enqueue_dma source(%dma_start3A_433 : memref<8x4096xf32, #tpu.memory_space<hbm>>) target(%dma_start3A_432 : memref<8x4096xf32, #tpu.memory_space<vmem>>) target_semaphore(%dma_start3A_428 : memref<!tpu.dma_semaphore, #tpu.memory_space<semaphore_mem>>)
    %add3A_434 = arith.constant 16384 : i32
    %add3A_435 = arith.addi %multiple_of3A_35, %add3A_434 : i32
    %dma_wait3A_436 = arith.constant 1 : i32
    %dma_wait3A_437 = arith.constant 1 : i32
    %dma_wait3A_438 = arith.constant 0 : i32
    %dma_wait3A_439 = arith.constant 0 : i32
    %dma_wait3A_440 = tpu.memref_slice %arg11[%dma_wait3A_436, %dma_wait3A_438, %dma_wait3A_439] : memref<3x8x4096xf32, #tpu.memory_space<vmem>> -> memref<1x8x4096xf32, #tpu.memory_space<vmem>>
    %dma_wait3A_441 = tpu.memref_squeeze %dma_wait3A_440 : memref<1x8x4096xf32, #tpu.memory_space<vmem>> -> memref<8x4096xf32, #tpu.memory_space<vmem>>
    %dma_wait3A_442 = tpu.memref_slice %arg4[%multiple_of3A, %add3A_435] : memref<128x65536xf32, #tpu.memory_space<hbm>> -> memref<8x4096xf32, #tpu.memory_space<hbm>>
    %dma_wait3A_443 = tpu.memref_slice %arg15[%dma_wait3A_437] : memref<3x!tpu.dma_semaphore, #tpu.memory_space<semaphore_mem>> -> memref<1x!tpu.dma_semaphore, #tpu.memory_space<semaphore_mem>>
    %dma_wait3A_444 = tpu.memref_squeeze %dma_wait3A_443 : memref<1x!tpu.dma_semaphore, #tpu.memory_space<semaphore_mem>> -> memref<!tpu.dma_semaphore, #tpu.memory_space<semaphore_mem>>
    %dma_wait3A_445 = arith.constant 0 : i32
    %dma_wait3A_446 = arith.constant 0 : i32
    %dma_wait3A_447 = tpu.memref_slice %arg11[%dma_wait3A_436, %dma_wait3A_445, %dma_wait3A_446] : memref<3x8x4096xf32, #tpu.memory_space<vmem>> -> memref<1x8x4096xf32, #tpu.memory_space<vmem>>
    %dma_wait3A_448 = tpu.memref_squeeze %dma_wait3A_447 : memref<1x8x4096xf32, #tpu.memory_space<vmem>> -> memref<8x4096xf32, #tpu.memory_space<vmem>>
    %dma_wait3A_449 = tpu.memref_slice %arg4[%multiple_of3A, %add3A_435] : memref<128x65536xf32, #tpu.memory_space<hbm>> -> memref<8x4096xf32, #tpu.memory_space<hbm>>
    tpu.wait_dma2 semaphore(%dma_wait3A_444 : memref<!tpu.dma_semaphore, #tpu.memory_space<semaphore_mem>>) src(%dma_wait3A_449 : memref<8x4096xf32, #tpu.memory_space<hbm>>) dst(%dma_wait3A_448 : memref<8x4096xf32, #tpu.memory_space<vmem>>)
    %eq3A_450 = arith.constant 4 : i32
    %eq3A_451 = arith.cmpi eq, %select_n3A_130, %eq3A_450 : i32
    %convert_element_type3A_452 = arith.extui %eq3A_451 : i1 to i32
    %cond3A_453 = arith.constant 0 : i32
    %cond3A_454 = arith.cmpi ne, %convert_element_type3A_452, %cond3A_453 : i32
    scf.if %cond3A_454 {
      %run_scoped3A = arith.constant 1 : i32
      "tpu.region"() ({
        %run_scoped3A_662 = tpu.sem_alloc : memref<!tpu.dma_semaphore, #tpu.memory_space<semaphore_mem>>
        %dma_start3A_663 = arith.constant 0 : i32
        %dma_start3A_664 = tpu.memref_slice %arg11[%run_scoped3A, %dma_start3A_663, %multiple_of3A_158] : memref<3x8x4096xf32, #tpu.memory_space<vmem>> -> memref<1x8x1024xf32, #tpu.memory_space<vmem>>
        %dma_start3A_665 = tpu.memref_squeeze %dma_start3A_664 : memref<1x8x1024xf32, #tpu.memory_space<vmem>> -> memref<8x1024xf32, #tpu.memory_space<vmem>>
        %dma_start3A_666 = arith.constant 0 : i32
        %dma_start3A_667 = tpu.memref_slice %arg2[%multiple_of3A, %dma_start3A_666] : memref<128x1024xf32, #tpu.memory_space<hbm>> -> memref<8x1024xf32, #tpu.memory_space<hbm>>
        %dma_start3A_668 = arith.constant 0 : i32
        %dma_start3A_669 = tpu.memref_slice %arg11[%run_scoped3A, %dma_start3A_668, %multiple_of3A_158] : memref<3x8x4096xf32, #tpu.memory_space<vmem>> -> memref<1x8x1024xf32, #tpu.memory_space<vmem>>
        %dma_start3A_670 = tpu.memref_squeeze %dma_start3A_669 : memref<1x8x1024xf32, #tpu.memory_space<vmem>> -> memref<8x1024xf32, #tpu.memory_space<vmem>>
        %dma_start3A_671 = arith.constant 0 : i32
        %dma_start3A_672 = tpu.memref_slice %arg2[%multiple_of3A, %dma_start3A_671] : memref<128x1024xf32, #tpu.memory_space<hbm>> -> memref<8x1024xf32, #tpu.memory_space<hbm>>
        tpu.enqueue_dma source(%dma_start3A_672 : memref<8x1024xf32, #tpu.memory_space<hbm>>) target(%dma_start3A_670 : memref<8x1024xf32, #tpu.memory_space<vmem>>) target_semaphore(%run_scoped3A_662 : memref<!tpu.dma_semaphore, #tpu.memory_space<semaphore_mem>>)
        %dma_wait3A_673 = arith.constant 0 : i32
        %dma_wait3A_674 = tpu.memref_slice %arg11[%run_scoped3A, %dma_wait3A_673, %multiple_of3A_158] : memref<3x8x4096xf32, #tpu.memory_space<vmem>> -> memref<1x8x1024xf32, #tpu.memory_space<vmem>>
        %dma_wait3A_675 = tpu.memref_squeeze %dma_wait3A_674 : memref<1x8x1024xf32, #tpu.memory_space<vmem>> -> memref<8x1024xf32, #tpu.memory_space<vmem>>
        %dma_wait3A_676 = arith.constant 0 : i32
        %dma_wait3A_677 = tpu.memref_slice %arg2[%multiple_of3A, %dma_wait3A_676] : memref<128x1024xf32, #tpu.memory_space<hbm>> -> memref<8x1024xf32, #tpu.memory_space<hbm>>
        %dma_wait3A_678 = arith.constant 0 : i32
        %dma_wait3A_679 = tpu.memref_slice %arg11[%run_scoped3A, %dma_wait3A_678, %multiple_of3A_158] : memref<3x8x4096xf32, #tpu.memory_space<vmem>> -> memref<1x8x1024xf32, #tpu.memory_space<vmem>>
        %dma_wait3A_680 = tpu.memref_squeeze %dma_wait3A_679 : memref<1x8x1024xf32, #tpu.memory_space<vmem>> -> memref<8x1024xf32, #tpu.memory_space<vmem>>
        %dma_wait3A_681 = arith.constant 0 : i32
        %dma_wait3A_682 = tpu.memref_slice %arg2[%multiple_of3A, %dma_wait3A_681] : memref<128x1024xf32, #tpu.memory_space<hbm>> -> memref<8x1024xf32, #tpu.memory_space<hbm>>
        tpu.wait_dma2 semaphore(%run_scoped3A_662 : memref<!tpu.dma_semaphore, #tpu.memory_space<semaphore_mem>>) src(%dma_wait3A_682 : memref<8x1024xf32, #tpu.memory_space<hbm>>) dst(%dma_wait3A_680 : memref<8x1024xf32, #tpu.memory_space<vmem>>)
        tpu.yield
      }) : () -> ()
    } else {
    }
    %add3A_455 = arith.constant 16384 : i32
    %add3A_456 = arith.addi %multiple_of3A_35, %add3A_455 : i32
    %dma_start3A_457 = arith.constant 1 : i32
    %dma_start3A_458 = arith.constant 1 : i32
    %dma_start3A_459 = arith.constant 0 : i32
    %dma_start3A_460 = arith.constant 0 : i32
    %dma_start3A_461 = tpu.memref_slice %arg11[%dma_start3A_457, %dma_start3A_459, %dma_start3A_460] : memref<3x8x4096xf32, #tpu.memory_space<vmem>> -> memref<1x8x4096xf32, #tpu.memory_space<vmem>>
    %dma_start3A_462 = tpu.memref_squeeze %dma_start3A_461 : memref<1x8x4096xf32, #tpu.memory_space<vmem>> -> memref<8x4096xf32, #tpu.memory_space<vmem>>
    %dma_start3A_463 = tpu.memref_slice %arg8[%multiple_of3A, %add3A_456] : memref<128x65536xf32, #tpu.memory_space<hbm>> -> memref<8x4096xf32, #tpu.memory_space<hbm>>
    %dma_start3A_464 = tpu.memref_slice %arg16[%dma_start3A_458] : memref<3x!tpu.dma_semaphore, #tpu.memory_space<semaphore_mem>> -> memref<1x!tpu.dma_semaphore, #tpu.memory_space<semaphore_mem>>
    %dma_start3A_465 = tpu.memref_squeeze %dma_start3A_464 : memref<1x!tpu.dma_semaphore, #tpu.memory_space<semaphore_mem>> -> memref<!tpu.dma_semaphore, #tpu.memory_space<semaphore_mem>>
    %dma_start3A_466 = tpu.memref_slice %arg8[%multiple_of3A, %add3A_456] : memref<128x65536xf32, #tpu.memory_space<hbm>> -> memref<8x4096xf32, #tpu.memory_space<hbm>>
    %dma_start3A_467 = arith.constant 0 : i32
    %dma_start3A_468 = arith.constant 0 : i32
    %dma_start3A_469 = tpu.memref_slice %arg11[%dma_start3A_457, %dma_start3A_467, %dma_start3A_468] : memref<3x8x4096xf32, #tpu.memory_space<vmem>> -> memref<1x8x4096xf32, #tpu.memory_space<vmem>>
    %dma_start3A_470 = tpu.memref_squeeze %dma_start3A_469 : memref<1x8x4096xf32, #tpu.memory_space<vmem>> -> memref<8x4096xf32, #tpu.memory_space<vmem>>
    tpu.enqueue_dma source(%dma_start3A_470 : memref<8x4096xf32, #tpu.memory_space<vmem>>) target(%dma_start3A_466 : memref<8x4096xf32, #tpu.memory_space<hbm>>) target_semaphore(%dma_start3A_465 : memref<!tpu.dma_semaphore, #tpu.memory_space<semaphore_mem>>)
    %add3A_471 = arith.constant 16384 : i32
    %add3A_472 = arith.addi %multiple_of3A_35, %add3A_471 : i32
    %dma_wait3A_473 = arith.constant 1 : i32
    %dma_wait3A_474 = arith.constant 1 : i32
    %dma_wait3A_475 = arith.constant 0 : i32
    %dma_wait3A_476 = arith.constant 0 : i32
    %dma_wait3A_477 = tpu.memref_slice %arg11[%dma_wait3A_473, %dma_wait3A_475, %dma_wait3A_476] : memref<3x8x4096xf32, #tpu.memory_space<vmem>> -> memref<1x8x4096xf32, #tpu.memory_space<vmem>>
    %dma_wait3A_478 = tpu.memref_squeeze %dma_wait3A_477 : memref<1x8x4096xf32, #tpu.memory_space<vmem>> -> memref<8x4096xf32, #tpu.memory_space<vmem>>
    %dma_wait3A_479 = tpu.memref_slice %arg8[%multiple_of3A, %add3A_472] : memref<128x65536xf32, #tpu.memory_space<hbm>> -> memref<8x4096xf32, #tpu.memory_space<hbm>>
    %dma_wait3A_480 = tpu.memref_slice %arg16[%dma_wait3A_474] : memref<3x!tpu.dma_semaphore, #tpu.memory_space<semaphore_mem>> -> memref<1x!tpu.dma_semaphore, #tpu.memory_space<semaphore_mem>>
    %dma_wait3A_481 = tpu.memref_squeeze %dma_wait3A_480 : memref<1x!tpu.dma_semaphore, #tpu.memory_space<semaphore_mem>> -> memref<!tpu.dma_semaphore, #tpu.memory_space<semaphore_mem>>
    %dma_wait3A_482 = tpu.memref_slice %arg8[%multiple_of3A, %add3A_472] : memref<128x65536xf32, #tpu.memory_space<hbm>> -> memref<8x4096xf32, #tpu.memory_space<hbm>>
    %dma_wait3A_483 = arith.constant 0 : i32
    %dma_wait3A_484 = arith.constant 0 : i32
    %dma_wait3A_485 = tpu.memref_slice %arg11[%dma_wait3A_473, %dma_wait3A_483, %dma_wait3A_484] : memref<3x8x4096xf32, #tpu.memory_space<vmem>> -> memref<1x8x4096xf32, #tpu.memory_space<vmem>>
    %dma_wait3A_486 = tpu.memref_squeeze %dma_wait3A_485 : memref<1x8x4096xf32, #tpu.memory_space<vmem>> -> memref<8x4096xf32, #tpu.memory_space<vmem>>
    tpu.wait_dma2 semaphore(%dma_wait3A_481 : memref<!tpu.dma_semaphore, #tpu.memory_space<semaphore_mem>>) src(%dma_wait3A_486 : memref<8x4096xf32, #tpu.memory_space<vmem>>) dst(%dma_wait3A_482 : memref<8x4096xf32, #tpu.memory_space<hbm>>)
    %add3A_487 = arith.constant 28672 : i32
    %add3A_488 = arith.addi %multiple_of3A_35, %add3A_487 : i32
    %dma_start3A_489 = arith.constant 1 : i32
    %dma_start3A_490 = arith.constant 1 : i32
    %dma_start3A_491 = arith.constant 0 : i32
    %dma_start3A_492 = arith.constant 0 : i32
    %dma_start3A_493 = tpu.memref_slice %arg11[%dma_start3A_489, %dma_start3A_491, %dma_start3A_492] : memref<3x8x4096xf32, #tpu.memory_space<vmem>> -> memref<1x8x4096xf32, #tpu.memory_space<vmem>>
    %dma_start3A_494 = tpu.memref_squeeze %dma_start3A_493 : memref<1x8x4096xf32, #tpu.memory_space<vmem>> -> memref<8x4096xf32, #tpu.memory_space<vmem>>
    %dma_start3A_495 = tpu.memref_slice %arg4[%multiple_of3A, %add3A_488] : memref<128x65536xf32, #tpu.memory_space<hbm>> -> memref<8x4096xf32, #tpu.memory_space<hbm>>
    %dma_start3A_496 = tpu.memref_slice %arg15[%dma_start3A_490] : memref<3x!tpu.dma_semaphore, #tpu.memory_space<semaphore_mem>> -> memref<1x!tpu.dma_semaphore, #tpu.memory_space<semaphore_mem>>
    %dma_start3A_497 = tpu.memref_squeeze %dma_start3A_496 : memref<1x!tpu.dma_semaphore, #tpu.memory_space<semaphore_mem>> -> memref<!tpu.dma_semaphore, #tpu.memory_space<semaphore_mem>>
    %dma_start3A_498 = arith.constant 0 : i32
    %dma_start3A_499 = arith.constant 0 : i32
    %dma_start3A_500 = tpu.memref_slice %arg11[%dma_start3A_489, %dma_start3A_498, %dma_start3A_499] : memref<3x8x4096xf32, #tpu.memory_space<vmem>> -> memref<1x8x4096xf32, #tpu.memory_space<vmem>>
    %dma_start3A_501 = tpu.memref_squeeze %dma_start3A_500 : memref<1x8x4096xf32, #tpu.memory_space<vmem>> -> memref<8x4096xf32, #tpu.memory_space<vmem>>
    %dma_start3A_502 = tpu.memref_slice %arg4[%multiple_of3A, %add3A_488] : memref<128x65536xf32, #tpu.memory_space<hbm>> -> memref<8x4096xf32, #tpu.memory_space<hbm>>
    tpu.enqueue_dma source(%dma_start3A_502 : memref<8x4096xf32, #tpu.memory_space<hbm>>) target(%dma_start3A_501 : memref<8x4096xf32, #tpu.memory_space<vmem>>) target_semaphore(%dma_start3A_497 : memref<!tpu.dma_semaphore, #tpu.memory_space<semaphore_mem>>)
    %add3A_503 = arith.constant 20480 : i32
    %add3A_504 = arith.addi %multiple_of3A_35, %add3A_503 : i32
    %dma_wait3A_505 = arith.constant 2 : i32
    %dma_wait3A_506 = arith.constant 2 : i32
    %dma_wait3A_507 = arith.constant 0 : i32
    %dma_wait3A_508 = arith.constant 0 : i32
    %dma_wait3A_509 = tpu.memref_slice %arg11[%dma_wait3A_505, %dma_wait3A_507, %dma_wait3A_508] : memref<3x8x4096xf32, #tpu.memory_space<vmem>> -> memref<1x8x4096xf32, #tpu.memory_space<vmem>>
    %dma_wait3A_510 = tpu.memref_squeeze %dma_wait3A_509 : memref<1x8x4096xf32, #tpu.memory_space<vmem>> -> memref<8x4096xf32, #tpu.memory_space<vmem>>
    %dma_wait3A_511 = tpu.memref_slice %arg4[%multiple_of3A, %add3A_504] : memref<128x65536xf32, #tpu.memory_space<hbm>> -> memref<8x4096xf32, #tpu.memory_space<hbm>>
    %dma_wait3A_512 = tpu.memref_slice %arg15[%dma_wait3A_506] : memref<3x!tpu.dma_semaphore, #tpu.memory_space<semaphore_mem>> -> memref<1x!tpu.dma_semaphore, #tpu.memory_space<semaphore_mem>>
    %dma_wait3A_513 = tpu.memref_squeeze %dma_wait3A_512 : memref<1x!tpu.dma_semaphore, #tpu.memory_space<semaphore_mem>> -> memref<!tpu.dma_semaphore, #tpu.memory_space<semaphore_mem>>
    %dma_wait3A_514 = arith.constant 0 : i32
    %dma_wait3A_515 = arith.constant 0 : i32
    %dma_wait3A_516 = tpu.memref_slice %arg11[%dma_wait3A_505, %dma_wait3A_514, %dma_wait3A_515] : memref<3x8x4096xf32, #tpu.memory_space<vmem>> -> memref<1x8x4096xf32, #tpu.memory_space<vmem>>
    %dma_wait3A_517 = tpu.memref_squeeze %dma_wait3A_516 : memref<1x8x4096xf32, #tpu.memory_space<vmem>> -> memref<8x4096xf32, #tpu.memory_space<vmem>>
    %dma_wait3A_518 = tpu.memref_slice %arg4[%multiple_of3A, %add3A_504] : memref<128x65536xf32, #tpu.memory_space<hbm>> -> memref<8x4096xf32, #tpu.memory_space<hbm>>
    tpu.wait_dma2 semaphore(%dma_wait3A_513 : memref<!tpu.dma_semaphore, #tpu.memory_space<semaphore_mem>>) src(%dma_wait3A_518 : memref<8x4096xf32, #tpu.memory_space<hbm>>) dst(%dma_wait3A_517 : memref<8x4096xf32, #tpu.memory_space<vmem>>)
    %eq3A_519 = arith.constant 5 : i32
    %eq3A_520 = arith.cmpi eq, %select_n3A_130, %eq3A_519 : i32
    %convert_element_type3A_521 = arith.extui %eq3A_520 : i1 to i32
    %cond3A_522 = arith.constant 0 : i32
    %cond3A_523 = arith.cmpi ne, %convert_element_type3A_521, %cond3A_522 : i32
    scf.if %cond3A_523 {
      %run_scoped3A = arith.constant 2 : i32
      "tpu.region"() ({
        %run_scoped3A_662 = tpu.sem_alloc : memref<!tpu.dma_semaphore, #tpu.memory_space<semaphore_mem>>
        %dma_start3A_663 = arith.constant 0 : i32
        %dma_start3A_664 = tpu.memref_slice %arg11[%run_scoped3A, %dma_start3A_663, %multiple_of3A_158] : memref<3x8x4096xf32, #tpu.memory_space<vmem>> -> memref<1x8x1024xf32, #tpu.memory_space<vmem>>
        %dma_start3A_665 = tpu.memref_squeeze %dma_start3A_664 : memref<1x8x1024xf32, #tpu.memory_space<vmem>> -> memref<8x1024xf32, #tpu.memory_space<vmem>>
        %dma_start3A_666 = arith.constant 0 : i32
        %dma_start3A_667 = tpu.memref_slice %arg2[%multiple_of3A, %dma_start3A_666] : memref<128x1024xf32, #tpu.memory_space<hbm>> -> memref<8x1024xf32, #tpu.memory_space<hbm>>
        %dma_start3A_668 = arith.constant 0 : i32
        %dma_start3A_669 = tpu.memref_slice %arg11[%run_scoped3A, %dma_start3A_668, %multiple_of3A_158] : memref<3x8x4096xf32, #tpu.memory_space<vmem>> -> memref<1x8x1024xf32, #tpu.memory_space<vmem>>
        %dma_start3A_670 = tpu.memref_squeeze %dma_start3A_669 : memref<1x8x1024xf32, #tpu.memory_space<vmem>> -> memref<8x1024xf32, #tpu.memory_space<vmem>>
        %dma_start3A_671 = arith.constant 0 : i32
        %dma_start3A_672 = tpu.memref_slice %arg2[%multiple_of3A, %dma_start3A_671] : memref<128x1024xf32, #tpu.memory_space<hbm>> -> memref<8x1024xf32, #tpu.memory_space<hbm>>
        tpu.enqueue_dma source(%dma_start3A_672 : memref<8x1024xf32, #tpu.memory_space<hbm>>) target(%dma_start3A_670 : memref<8x1024xf32, #tpu.memory_space<vmem>>) target_semaphore(%run_scoped3A_662 : memref<!tpu.dma_semaphore, #tpu.memory_space<semaphore_mem>>)
        %dma_wait3A_673 = arith.constant 0 : i32
        %dma_wait3A_674 = tpu.memref_slice %arg11[%run_scoped3A, %dma_wait3A_673, %multiple_of3A_158] : memref<3x8x4096xf32, #tpu.memory_space<vmem>> -> memref<1x8x1024xf32, #tpu.memory_space<vmem>>
        %dma_wait3A_675 = tpu.memref_squeeze %dma_wait3A_674 : memref<1x8x1024xf32, #tpu.memory_space<vmem>> -> memref<8x1024xf32, #tpu.memory_space<vmem>>
        %dma_wait3A_676 = arith.constant 0 : i32
        %dma_wait3A_677 = tpu.memref_slice %arg2[%multiple_of3A, %dma_wait3A_676] : memref<128x1024xf32, #tpu.memory_space<hbm>> -> memref<8x1024xf32, #tpu.memory_space<hbm>>
        %dma_wait3A_678 = arith.constant 0 : i32
        %dma_wait3A_679 = tpu.memref_slice %arg11[%run_scoped3A, %dma_wait3A_678, %multiple_of3A_158] : memref<3x8x4096xf32, #tpu.memory_space<vmem>> -> memref<1x8x1024xf32, #tpu.memory_space<vmem>>
        %dma_wait3A_680 = tpu.memref_squeeze %dma_wait3A_679 : memref<1x8x1024xf32, #tpu.memory_space<vmem>> -> memref<8x1024xf32, #tpu.memory_space<vmem>>
        %dma_wait3A_681 = arith.constant 0 : i32
        %dma_wait3A_682 = tpu.memref_slice %arg2[%multiple_of3A, %dma_wait3A_681] : memref<128x1024xf32, #tpu.memory_space<hbm>> -> memref<8x1024xf32, #tpu.memory_space<hbm>>
        tpu.wait_dma2 semaphore(%run_scoped3A_662 : memref<!tpu.dma_semaphore, #tpu.memory_space<semaphore_mem>>) src(%dma_wait3A_682 : memref<8x1024xf32, #tpu.memory_space<hbm>>) dst(%dma_wait3A_680 : memref<8x1024xf32, #tpu.memory_space<vmem>>)
        tpu.yield
      }) : () -> ()
    } else {
    }
    %add3A_524 = arith.constant 20480 : i32
    %add3A_525 = arith.addi %multiple_of3A_35, %add3A_524 : i32
    %dma_start3A_526 = arith.constant 2 : i32
    %dma_start3A_527 = arith.constant 2 : i32
    %dma_start3A_528 = arith.constant 0 : i32
    %dma_start3A_529 = arith.constant 0 : i32
    %dma_start3A_530 = tpu.memref_slice %arg11[%dma_start3A_526, %dma_start3A_528, %dma_start3A_529] : memref<3x8x4096xf32, #tpu.memory_space<vmem>> -> memref<1x8x4096xf32, #tpu.memory_space<vmem>>
    %dma_start3A_531 = tpu.memref_squeeze %dma_start3A_530 : memref<1x8x4096xf32, #tpu.memory_space<vmem>> -> memref<8x4096xf32, #tpu.memory_space<vmem>>
    %dma_start3A_532 = tpu.memref_slice %arg8[%multiple_of3A, %add3A_525] : memref<128x65536xf32, #tpu.memory_space<hbm>> -> memref<8x4096xf32, #tpu.memory_space<hbm>>
    %dma_start3A_533 = tpu.memref_slice %arg16[%dma_start3A_527] : memref<3x!tpu.dma_semaphore, #tpu.memory_space<semaphore_mem>> -> memref<1x!tpu.dma_semaphore, #tpu.memory_space<semaphore_mem>>
    %dma_start3A_534 = tpu.memref_squeeze %dma_start3A_533 : memref<1x!tpu.dma_semaphore, #tpu.memory_space<semaphore_mem>> -> memref<!tpu.dma_semaphore, #tpu.memory_space<semaphore_mem>>
    %dma_start3A_535 = tpu.memref_slice %arg8[%multiple_of3A, %add3A_525] : memref<128x65536xf32, #tpu.memory_space<hbm>> -> memref<8x4096xf32, #tpu.memory_space<hbm>>
    %dma_start3A_536 = arith.constant 0 : i32
    %dma_start3A_537 = arith.constant 0 : i32
    %dma_start3A_538 = tpu.memref_slice %arg11[%dma_start3A_526, %dma_start3A_536, %dma_start3A_537] : memref<3x8x4096xf32, #tpu.memory_space<vmem>> -> memref<1x8x4096xf32, #tpu.memory_space<vmem>>
    %dma_start3A_539 = tpu.memref_squeeze %dma_start3A_538 : memref<1x8x4096xf32, #tpu.memory_space<vmem>> -> memref<8x4096xf32, #tpu.memory_space<vmem>>
    tpu.enqueue_dma source(%dma_start3A_539 : memref<8x4096xf32, #tpu.memory_space<vmem>>) target(%dma_start3A_535 : memref<8x4096xf32, #tpu.memory_space<hbm>>) target_semaphore(%dma_start3A_534 : memref<!tpu.dma_semaphore, #tpu.memory_space<semaphore_mem>>)
    %add3A_540 = arith.constant 24576 : i32
    %add3A_541 = arith.addi %multiple_of3A_35, %add3A_540 : i32
    %dma_wait3A_542 = arith.constant 0 : i32
    %dma_wait3A_543 = arith.constant 0 : i32
    %dma_wait3A_544 = arith.constant 0 : i32
    %dma_wait3A_545 = arith.constant 0 : i32
    %dma_wait3A_546 = tpu.memref_slice %arg11[%dma_wait3A_542, %dma_wait3A_544, %dma_wait3A_545] : memref<3x8x4096xf32, #tpu.memory_space<vmem>> -> memref<1x8x4096xf32, #tpu.memory_space<vmem>>
    %dma_wait3A_547 = tpu.memref_squeeze %dma_wait3A_546 : memref<1x8x4096xf32, #tpu.memory_space<vmem>> -> memref<8x4096xf32, #tpu.memory_space<vmem>>
    %dma_wait3A_548 = tpu.memref_slice %arg4[%multiple_of3A, %add3A_541] : memref<128x65536xf32, #tpu.memory_space<hbm>> -> memref<8x4096xf32, #tpu.memory_space<hbm>>
    %dma_wait3A_549 = tpu.memref_slice %arg15[%dma_wait3A_543] : memref<3x!tpu.dma_semaphore, #tpu.memory_space<semaphore_mem>> -> memref<1x!tpu.dma_semaphore, #tpu.memory_space<semaphore_mem>>
    %dma_wait3A_550 = tpu.memref_squeeze %dma_wait3A_549 : memref<1x!tpu.dma_semaphore, #tpu.memory_space<semaphore_mem>> -> memref<!tpu.dma_semaphore, #tpu.memory_space<semaphore_mem>>
    %dma_wait3A_551 = arith.constant 0 : i32
    %dma_wait3A_552 = arith.constant 0 : i32
    %dma_wait3A_553 = tpu.memref_slice %arg11[%dma_wait3A_542, %dma_wait3A_551, %dma_wait3A_552] : memref<3x8x4096xf32, #tpu.memory_space<vmem>> -> memref<1x8x4096xf32, #tpu.memory_space<vmem>>
    %dma_wait3A_554 = tpu.memref_squeeze %dma_wait3A_553 : memref<1x8x4096xf32, #tpu.memory_space<vmem>> -> memref<8x4096xf32, #tpu.memory_space<vmem>>
    %dma_wait3A_555 = tpu.memref_slice %arg4[%multiple_of3A, %add3A_541] : memref<128x65536xf32, #tpu.memory_space<hbm>> -> memref<8x4096xf32, #tpu.memory_space<hbm>>
    tpu.wait_dma2 semaphore(%dma_wait3A_550 : memref<!tpu.dma_semaphore, #tpu.memory_space<semaphore_mem>>) src(%dma_wait3A_555 : memref<8x4096xf32, #tpu.memory_space<hbm>>) dst(%dma_wait3A_554 : memref<8x4096xf32, #tpu.memory_space<vmem>>)
    %eq3A_556 = arith.constant 6 : i32
    %eq3A_557 = arith.cmpi eq, %select_n3A_130, %eq3A_556 : i32
    %convert_element_type3A_558 = arith.extui %eq3A_557 : i1 to i32
    %cond3A_559 = arith.constant 0 : i32
    %cond3A_560 = arith.cmpi ne, %convert_element_type3A_558, %cond3A_559 : i32
    scf.if %cond3A_560 {
      %run_scoped3A = arith.constant 0 : i32
      "tpu.region"() ({
        %run_scoped3A_662 = tpu.sem_alloc : memref<!tpu.dma_semaphore, #tpu.memory_space<semaphore_mem>>
        %dma_start3A_663 = arith.constant 0 : i32
        %dma_start3A_664 = tpu.memref_slice %arg11[%run_scoped3A, %dma_start3A_663, %multiple_of3A_158] : memref<3x8x4096xf32, #tpu.memory_space<vmem>> -> memref<1x8x1024xf32, #tpu.memory_space<vmem>>
        %dma_start3A_665 = tpu.memref_squeeze %dma_start3A_664 : memref<1x8x1024xf32, #tpu.memory_space<vmem>> -> memref<8x1024xf32, #tpu.memory_space<vmem>>
        %dma_start3A_666 = arith.constant 0 : i32
        %dma_start3A_667 = tpu.memref_slice %arg2[%multiple_of3A, %dma_start3A_666] : memref<128x1024xf32, #tpu.memory_space<hbm>> -> memref<8x1024xf32, #tpu.memory_space<hbm>>
        %dma_start3A_668 = arith.constant 0 : i32
        %dma_start3A_669 = tpu.memref_slice %arg11[%run_scoped3A, %dma_start3A_668, %multiple_of3A_158] : memref<3x8x4096xf32, #tpu.memory_space<vmem>> -> memref<1x8x1024xf32, #tpu.memory_space<vmem>>
        %dma_start3A_670 = tpu.memref_squeeze %dma_start3A_669 : memref<1x8x1024xf32, #tpu.memory_space<vmem>> -> memref<8x1024xf32, #tpu.memory_space<vmem>>
        %dma_start3A_671 = arith.constant 0 : i32
        %dma_start3A_672 = tpu.memref_slice %arg2[%multiple_of3A, %dma_start3A_671] : memref<128x1024xf32, #tpu.memory_space<hbm>> -> memref<8x1024xf32, #tpu.memory_space<hbm>>
        tpu.enqueue_dma source(%dma_start3A_672 : memref<8x1024xf32, #tpu.memory_space<hbm>>) target(%dma_start3A_670 : memref<8x1024xf32, #tpu.memory_space<vmem>>) target_semaphore(%run_scoped3A_662 : memref<!tpu.dma_semaphore, #tpu.memory_space<semaphore_mem>>)
        %dma_wait3A_673 = arith.constant 0 : i32
        %dma_wait3A_674 = tpu.memref_slice %arg11[%run_scoped3A, %dma_wait3A_673, %multiple_of3A_158] : memref<3x8x4096xf32, #tpu.memory_space<vmem>> -> memref<1x8x1024xf32, #tpu.memory_space<vmem>>
        %dma_wait3A_675 = tpu.memref_squeeze %dma_wait3A_674 : memref<1x8x1024xf32, #tpu.memory_space<vmem>> -> memref<8x1024xf32, #tpu.memory_space<vmem>>
        %dma_wait3A_676 = arith.constant 0 : i32
        %dma_wait3A_677 = tpu.memref_slice %arg2[%multiple_of3A, %dma_wait3A_676] : memref<128x1024xf32, #tpu.memory_space<hbm>> -> memref<8x1024xf32, #tpu.memory_space<hbm>>
        %dma_wait3A_678 = arith.constant 0 : i32
        %dma_wait3A_679 = tpu.memref_slice %arg11[%run_scoped3A, %dma_wait3A_678, %multiple_of3A_158] : memref<3x8x4096xf32, #tpu.memory_space<vmem>> -> memref<1x8x1024xf32, #tpu.memory_space<vmem>>
        %dma_wait3A_680 = tpu.memref_squeeze %dma_wait3A_679 : memref<1x8x1024xf32, #tpu.memory_space<vmem>> -> memref<8x1024xf32, #tpu.memory_space<vmem>>
        %dma_wait3A_681 = arith.constant 0 : i32
        %dma_wait3A_682 = tpu.memref_slice %arg2[%multiple_of3A, %dma_wait3A_681] : memref<128x1024xf32, #tpu.memory_space<hbm>> -> memref<8x1024xf32, #tpu.memory_space<hbm>>
        tpu.wait_dma2 semaphore(%run_scoped3A_662 : memref<!tpu.dma_semaphore, #tpu.memory_space<semaphore_mem>>) src(%dma_wait3A_682 : memref<8x1024xf32, #tpu.memory_space<hbm>>) dst(%dma_wait3A_680 : memref<8x1024xf32, #tpu.memory_space<vmem>>)
        tpu.yield
      }) : () -> ()
    } else {
    }
    %add3A_561 = arith.constant 24576 : i32
    %add3A_562 = arith.addi %multiple_of3A_35, %add3A_561 : i32
    %dma_start3A_563 = arith.constant 0 : i32
    %dma_start3A_564 = arith.constant 0 : i32
    %dma_start3A_565 = arith.constant 0 : i32
    %dma_start3A_566 = arith.constant 0 : i32
    %dma_start3A_567 = tpu.memref_slice %arg11[%dma_start3A_563, %dma_start3A_565, %dma_start3A_566] : memref<3x8x4096xf32, #tpu.memory_space<vmem>> -> memref<1x8x4096xf32, #tpu.memory_space<vmem>>
    %dma_start3A_568 = tpu.memref_squeeze %dma_start3A_567 : memref<1x8x4096xf32, #tpu.memory_space<vmem>> -> memref<8x4096xf32, #tpu.memory_space<vmem>>
    %dma_start3A_569 = tpu.memref_slice %arg8[%multiple_of3A, %add3A_562] : memref<128x65536xf32, #tpu.memory_space<hbm>> -> memref<8x4096xf32, #tpu.memory_space<hbm>>
    %dma_start3A_570 = tpu.memref_slice %arg16[%dma_start3A_564] : memref<3x!tpu.dma_semaphore, #tpu.memory_space<semaphore_mem>> -> memref<1x!tpu.dma_semaphore, #tpu.memory_space<semaphore_mem>>
    %dma_start3A_571 = tpu.memref_squeeze %dma_start3A_570 : memref<1x!tpu.dma_semaphore, #tpu.memory_space<semaphore_mem>> -> memref<!tpu.dma_semaphore, #tpu.memory_space<semaphore_mem>>
    %dma_start3A_572 = tpu.memref_slice %arg8[%multiple_of3A, %add3A_562] : memref<128x65536xf32, #tpu.memory_space<hbm>> -> memref<8x4096xf32, #tpu.memory_space<hbm>>
    %dma_start3A_573 = arith.constant 0 : i32
    %dma_start3A_574 = arith.constant 0 : i32
    %dma_start3A_575 = tpu.memref_slice %arg11[%dma_start3A_563, %dma_start3A_573, %dma_start3A_574] : memref<3x8x4096xf32, #tpu.memory_space<vmem>> -> memref<1x8x4096xf32, #tpu.memory_space<vmem>>
    %dma_start3A_576 = tpu.memref_squeeze %dma_start3A_575 : memref<1x8x4096xf32, #tpu.memory_space<vmem>> -> memref<8x4096xf32, #tpu.memory_space<vmem>>
    tpu.enqueue_dma source(%dma_start3A_576 : memref<8x4096xf32, #tpu.memory_space<vmem>>) target(%dma_start3A_572 : memref<8x4096xf32, #tpu.memory_space<hbm>>) target_semaphore(%dma_start3A_571 : memref<!tpu.dma_semaphore, #tpu.memory_space<semaphore_mem>>)
    %add3A_577 = arith.constant 28672 : i32
    %add3A_578 = arith.addi %multiple_of3A_35, %add3A_577 : i32
    %dma_wait3A_579 = arith.constant 1 : i32
    %dma_wait3A_580 = arith.constant 1 : i32
    %dma_wait3A_581 = arith.constant 0 : i32
    %dma_wait3A_582 = arith.constant 0 : i32
    %dma_wait3A_583 = tpu.memref_slice %arg11[%dma_wait3A_579, %dma_wait3A_581, %dma_wait3A_582] : memref<3x8x4096xf32, #tpu.memory_space<vmem>> -> memref<1x8x4096xf32, #tpu.memory_space<vmem>>
    %dma_wait3A_584 = tpu.memref_squeeze %dma_wait3A_583 : memref<1x8x4096xf32, #tpu.memory_space<vmem>> -> memref<8x4096xf32, #tpu.memory_space<vmem>>
    %dma_wait3A_585 = tpu.memref_slice %arg4[%multiple_of3A, %add3A_578] : memref<128x65536xf32, #tpu.memory_space<hbm>> -> memref<8x4096xf32, #tpu.memory_space<hbm>>
    %dma_wait3A_586 = tpu.memref_slice %arg15[%dma_wait3A_580] : memref<3x!tpu.dma_semaphore, #tpu.memory_space<semaphore_mem>> -> memref<1x!tpu.dma_semaphore, #tpu.memory_space<semaphore_mem>>
    %dma_wait3A_587 = tpu.memref_squeeze %dma_wait3A_586 : memref<1x!tpu.dma_semaphore, #tpu.memory_space<semaphore_mem>> -> memref<!tpu.dma_semaphore, #tpu.memory_space<semaphore_mem>>
    %dma_wait3A_588 = arith.constant 0 : i32
    %dma_wait3A_589 = arith.constant 0 : i32
    %dma_wait3A_590 = tpu.memref_slice %arg11[%dma_wait3A_579, %dma_wait3A_588, %dma_wait3A_589] : memref<3x8x4096xf32, #tpu.memory_space<vmem>> -> memref<1x8x4096xf32, #tpu.memory_space<vmem>>
    %dma_wait3A_591 = tpu.memref_squeeze %dma_wait3A_590 : memref<1x8x4096xf32, #tpu.memory_space<vmem>> -> memref<8x4096xf32, #tpu.memory_space<vmem>>
    %dma_wait3A_592 = tpu.memref_slice %arg4[%multiple_of3A, %add3A_578] : memref<128x65536xf32, #tpu.memory_space<hbm>> -> memref<8x4096xf32, #tpu.memory_space<hbm>>
    tpu.wait_dma2 semaphore(%dma_wait3A_587 : memref<!tpu.dma_semaphore, #tpu.memory_space<semaphore_mem>>) src(%dma_wait3A_592 : memref<8x4096xf32, #tpu.memory_space<hbm>>) dst(%dma_wait3A_591 : memref<8x4096xf32, #tpu.memory_space<vmem>>)
    %eq3A_593 = arith.constant 7 : i32
    %eq3A_594 = arith.cmpi eq, %select_n3A_130, %eq3A_593 : i32
    %convert_element_type3A_595 = arith.extui %eq3A_594 : i1 to i32
    %cond3A_596 = arith.constant 0 : i32
    %cond3A_597 = arith.cmpi ne, %convert_element_type3A_595, %cond3A_596 : i32
    scf.if %cond3A_597 {
      %run_scoped3A = arith.constant 1 : i32
      "tpu.region"() ({
        %run_scoped3A_662 = tpu.sem_alloc : memref<!tpu.dma_semaphore, #tpu.memory_space<semaphore_mem>>
        %dma_start3A_663 = arith.constant 0 : i32
        %dma_start3A_664 = tpu.memref_slice %arg11[%run_scoped3A, %dma_start3A_663, %multiple_of3A_158] : memref<3x8x4096xf32, #tpu.memory_space<vmem>> -> memref<1x8x1024xf32, #tpu.memory_space<vmem>>
        %dma_start3A_665 = tpu.memref_squeeze %dma_start3A_664 : memref<1x8x1024xf32, #tpu.memory_space<vmem>> -> memref<8x1024xf32, #tpu.memory_space<vmem>>
        %dma_start3A_666 = arith.constant 0 : i32
        %dma_start3A_667 = tpu.memref_slice %arg2[%multiple_of3A, %dma_start3A_666] : memref<128x1024xf32, #tpu.memory_space<hbm>> -> memref<8x1024xf32, #tpu.memory_space<hbm>>
        %dma_start3A_668 = arith.constant 0 : i32
        %dma_start3A_669 = tpu.memref_slice %arg11[%run_scoped3A, %dma_start3A_668, %multiple_of3A_158] : memref<3x8x4096xf32, #tpu.memory_space<vmem>> -> memref<1x8x1024xf32, #tpu.memory_space<vmem>>
        %dma_start3A_670 = tpu.memref_squeeze %dma_start3A_669 : memref<1x8x1024xf32, #tpu.memory_space<vmem>> -> memref<8x1024xf32, #tpu.memory_space<vmem>>
        %dma_start3A_671 = arith.constant 0 : i32
        %dma_start3A_672 = tpu.memref_slice %arg2[%multiple_of3A, %dma_start3A_671] : memref<128x1024xf32, #tpu.memory_space<hbm>> -> memref<8x1024xf32, #tpu.memory_space<hbm>>
        tpu.enqueue_dma source(%dma_start3A_672 : memref<8x1024xf32, #tpu.memory_space<hbm>>) target(%dma_start3A_670 : memref<8x1024xf32, #tpu.memory_space<vmem>>) target_semaphore(%run_scoped3A_662 : memref<!tpu.dma_semaphore, #tpu.memory_space<semaphore_mem>>)
        %dma_wait3A_673 = arith.constant 0 : i32
        %dma_wait3A_674 = tpu.memref_slice %arg11[%run_scoped3A, %dma_wait3A_673, %multiple_of3A_158] : memref<3x8x4096xf32, #tpu.memory_space<vmem>> -> memref<1x8x1024xf32, #tpu.memory_space<vmem>>
        %dma_wait3A_675 = tpu.memref_squeeze %dma_wait3A_674 : memref<1x8x1024xf32, #tpu.memory_space<vmem>> -> memref<8x1024xf32, #tpu.memory_space<vmem>>
        %dma_wait3A_676 = arith.constant 0 : i32
        %dma_wait3A_677 = tpu.memref_slice %arg2[%multiple_of3A, %dma_wait3A_676] : memref<128x1024xf32, #tpu.memory_space<hbm>> -> memref<8x1024xf32, #tpu.memory_space<hbm>>
        %dma_wait3A_678 = arith.constant 0 : i32
        %dma_wait3A_679 = tpu.memref_slice %arg11[%run_scoped3A, %dma_wait3A_678, %multiple_of3A_158] : memref<3x8x4096xf32, #tpu.memory_space<vmem>> -> memref<1x8x1024xf32, #tpu.memory_space<vmem>>
        %dma_wait3A_680 = tpu.memref_squeeze %dma_wait3A_679 : memref<1x8x1024xf32, #tpu.memory_space<vmem>> -> memref<8x1024xf32, #tpu.memory_space<vmem>>
        %dma_wait3A_681 = arith.constant 0 : i32
        %dma_wait3A_682 = tpu.memref_slice %arg2[%multiple_of3A, %dma_wait3A_681] : memref<128x1024xf32, #tpu.memory_space<hbm>> -> memref<8x1024xf32, #tpu.memory_space<hbm>>
        tpu.wait_dma2 semaphore(%run_scoped3A_662 : memref<!tpu.dma_semaphore, #tpu.memory_space<semaphore_mem>>) src(%dma_wait3A_682 : memref<8x1024xf32, #tpu.memory_space<hbm>>) dst(%dma_wait3A_680 : memref<8x1024xf32, #tpu.memory_space<vmem>>)
        tpu.yield
      }) : () -> ()
    } else {
    }
    %add3A_598 = arith.constant 28672 : i32
    %add3A_599 = arith.addi %multiple_of3A_35, %add3A_598 : i32
    %dma_start3A_600 = arith.constant 1 : i32
    %dma_start3A_601 = arith.constant 1 : i32
    %dma_start3A_602 = arith.constant 0 : i32
    %dma_start3A_603 = arith.constant 0 : i32
    %dma_start3A_604 = tpu.memref_slice %arg11[%dma_start3A_600, %dma_start3A_602, %dma_start3A_603] : memref<3x8x4096xf32, #tpu.memory_space<vmem>> -> memref<1x8x4096xf32, #tpu.memory_space<vmem>>
    %dma_start3A_605 = tpu.memref_squeeze %dma_start3A_604 : memref<1x8x4096xf32, #tpu.memory_space<vmem>> -> memref<8x4096xf32, #tpu.memory_space<vmem>>
    %dma_start3A_606 = tpu.memref_slice %arg8[%multiple_of3A, %add3A_599] : memref<128x65536xf32, #tpu.memory_space<hbm>> -> memref<8x4096xf32, #tpu.memory_space<hbm>>
    %dma_start3A_607 = tpu.memref_slice %arg16[%dma_start3A_601] : memref<3x!tpu.dma_semaphore, #tpu.memory_space<semaphore_mem>> -> memref<1x!tpu.dma_semaphore, #tpu.memory_space<semaphore_mem>>
    %dma_start3A_608 = tpu.memref_squeeze %dma_start3A_607 : memref<1x!tpu.dma_semaphore, #tpu.memory_space<semaphore_mem>> -> memref<!tpu.dma_semaphore, #tpu.memory_space<semaphore_mem>>
    %dma_start3A_609 = tpu.memref_slice %arg8[%multiple_of3A, %add3A_599] : memref<128x65536xf32, #tpu.memory_space<hbm>> -> memref<8x4096xf32, #tpu.memory_space<hbm>>
    %dma_start3A_610 = arith.constant 0 : i32
    %dma_start3A_611 = arith.constant 0 : i32
    %dma_start3A_612 = tpu.memref_slice %arg11[%dma_start3A_600, %dma_start3A_610, %dma_start3A_611] : memref<3x8x4096xf32, #tpu.memory_space<vmem>> -> memref<1x8x4096xf32, #tpu.memory_space<vmem>>
    %dma_start3A_613 = tpu.memref_squeeze %dma_start3A_612 : memref<1x8x4096xf32, #tpu.memory_space<vmem>> -> memref<8x4096xf32, #tpu.memory_space<vmem>>
    tpu.enqueue_dma source(%dma_start3A_613 : memref<8x4096xf32, #tpu.memory_space<vmem>>) target(%dma_start3A_609 : memref<8x4096xf32, #tpu.memory_space<hbm>>) target_semaphore(%dma_start3A_608 : memref<!tpu.dma_semaphore, #tpu.memory_space<semaphore_mem>>)
    %add3A_614 = arith.constant 20480 : i32
    %add3A_615 = arith.addi %multiple_of3A_35, %add3A_614 : i32
    %dma_wait3A_616 = arith.constant 2 : i32
    %dma_wait3A_617 = arith.constant 2 : i32
    %dma_wait3A_618 = arith.constant 0 : i32
    %dma_wait3A_619 = arith.constant 0 : i32
    %dma_wait3A_620 = tpu.memref_slice %arg11[%dma_wait3A_616, %dma_wait3A_618, %dma_wait3A_619] : memref<3x8x4096xf32, #tpu.memory_space<vmem>> -> memref<1x8x4096xf32, #tpu.memory_space<vmem>>
    %dma_wait3A_621 = tpu.memref_squeeze %dma_wait3A_620 : memref<1x8x4096xf32, #tpu.memory_space<vmem>> -> memref<8x4096xf32, #tpu.memory_space<vmem>>
    %dma_wait3A_622 = tpu.memref_slice %arg8[%multiple_of3A, %add3A_615] : memref<128x65536xf32, #tpu.memory_space<hbm>> -> memref<8x4096xf32, #tpu.memory_space<hbm>>
    %dma_wait3A_623 = tpu.memref_slice %arg16[%dma_wait3A_617] : memref<3x!tpu.dma_semaphore, #tpu.memory_space<semaphore_mem>> -> memref<1x!tpu.dma_semaphore, #tpu.memory_space<semaphore_mem>>
    %dma_wait3A_624 = tpu.memref_squeeze %dma_wait3A_623 : memref<1x!tpu.dma_semaphore, #tpu.memory_space<semaphore_mem>> -> memref<!tpu.dma_semaphore, #tpu.memory_space<semaphore_mem>>
    %dma_wait3A_625 = tpu.memref_slice %arg8[%multiple_of3A, %add3A_615] : memref<128x65536xf32, #tpu.memory_space<hbm>> -> memref<8x4096xf32, #tpu.memory_space<hbm>>
    %dma_wait3A_626 = arith.constant 0 : i32
    %dma_wait3A_627 = arith.constant 0 : i32
    %dma_wait3A_628 = tpu.memref_slice %arg11[%dma_wait3A_616, %dma_wait3A_626, %dma_wait3A_627] : memref<3x8x4096xf32, #tpu.memory_space<vmem>> -> memref<1x8x4096xf32, #tpu.memory_space<vmem>>
    %dma_wait3A_629 = tpu.memref_squeeze %dma_wait3A_628 : memref<1x8x4096xf32, #tpu.memory_space<vmem>> -> memref<8x4096xf32, #tpu.memory_space<vmem>>
    tpu.wait_dma2 semaphore(%dma_wait3A_624 : memref<!tpu.dma_semaphore, #tpu.memory_space<semaphore_mem>>) src(%dma_wait3A_629 : memref<8x4096xf32, #tpu.memory_space<vmem>>) dst(%dma_wait3A_625 : memref<8x4096xf32, #tpu.memory_space<hbm>>)
    %add3A_630 = arith.constant 24576 : i32
    %add3A_631 = arith.addi %multiple_of3A_35, %add3A_630 : i32
    %dma_wait3A_632 = arith.constant 0 : i32
    %dma_wait3A_633 = arith.constant 0 : i32
    %dma_wait3A_634 = arith.constant 0 : i32
    %dma_wait3A_635 = arith.constant 0 : i32
    %dma_wait3A_636 = tpu.memref_slice %arg11[%dma_wait3A_632, %dma_wait3A_634, %dma_wait3A_635] : memref<3x8x4096xf32, #tpu.memory_space<vmem>> -> memref<1x8x4096xf32, #tpu.memory_space<vmem>>
    %dma_wait3A_637 = tpu.memref_squeeze %dma_wait3A_636 : memref<1x8x4096xf32, #tpu.memory_space<vmem>> -> memref<8x4096xf32, #tpu.memory_space<vmem>>
    %dma_wait3A_638 = tpu.memref_slice %arg8[%multiple_of3A, %add3A_631] : memref<128x65536xf32, #tpu.memory_space<hbm>> -> memref<8x4096xf32, #tpu.memory_space<hbm>>
    %dma_wait3A_639 = tpu.memref_slice %arg16[%dma_wait3A_633] : memref<3x!tpu.dma_semaphore, #tpu.memory_space<semaphore_mem>> -> memref<1x!tpu.dma_semaphore, #tpu.memory_space<semaphore_mem>>
    %dma_wait3A_640 = tpu.memref_squeeze %dma_wait3A_639 : memref<1x!tpu.dma_semaphore, #tpu.memory_space<semaphore_mem>> -> memref<!tpu.dma_semaphore, #tpu.memory_space<semaphore_mem>>
    %dma_wait3A_641 = tpu.memref_slice %arg8[%multiple_of3A, %add3A_631] : memref<128x65536xf32, #tpu.memory_space<hbm>> -> memref<8x4096xf32, #tpu.memory_space<hbm>>
    %dma_wait3A_642 = arith.constant 0 : i32
    %dma_wait3A_643 = arith.constant 0 : i32
    %dma_wait3A_644 = tpu.memref_slice %arg11[%dma_wait3A_632, %dma_wait3A_642, %dma_wait3A_643] : memref<3x8x4096xf32, #tpu.memory_space<vmem>> -> memref<1x8x4096xf32, #tpu.memory_space<vmem>>
    %dma_wait3A_645 = tpu.memref_squeeze %dma_wait3A_644 : memref<1x8x4096xf32, #tpu.memory_space<vmem>> -> memref<8x4096xf32, #tpu.memory_space<vmem>>
    tpu.wait_dma2 semaphore(%dma_wait3A_640 : memref<!tpu.dma_semaphore, #tpu.memory_space<semaphore_mem>>) src(%dma_wait3A_645 : memref<8x4096xf32, #tpu.memory_space<vmem>>) dst(%dma_wait3A_641 : memref<8x4096xf32, #tpu.memory_space<hbm>>)
    %add3A_646 = arith.constant 28672 : i32
    %add3A_647 = arith.addi %multiple_of3A_35, %add3A_646 : i32
    %dma_wait3A_648 = arith.constant 1 : i32
    %dma_wait3A_649 = arith.constant 1 : i32
    %dma_wait3A_650 = arith.constant 0 : i32
    %dma_wait3A_651 = arith.constant 0 : i32
    %dma_wait3A_652 = tpu.memref_slice %arg11[%dma_wait3A_648, %dma_wait3A_650, %dma_wait3A_651] : memref<3x8x4096xf32, #tpu.memory_space<vmem>> -> memref<1x8x4096xf32, #tpu.memory_space<vmem>>
    %dma_wait3A_653 = tpu.memref_squeeze %dma_wait3A_652 : memref<1x8x4096xf32, #tpu.memory_space<vmem>> -> memref<8x4096xf32, #tpu.memory_space<vmem>>
    %dma_wait3A_654 = tpu.memref_slice %arg8[%multiple_of3A, %add3A_647] : memref<128x65536xf32, #tpu.memory_space<hbm>> -> memref<8x4096xf32, #tpu.memory_space<hbm>>
    %dma_wait3A_655 = tpu.memref_slice %arg16[%dma_wait3A_649] : memref<3x!tpu.dma_semaphore, #tpu.memory_space<semaphore_mem>> -> memref<1x!tpu.dma_semaphore, #tpu.memory_space<semaphore_mem>>
    %dma_wait3A_656 = tpu.memref_squeeze %dma_wait3A_655 : memref<1x!tpu.dma_semaphore, #tpu.memory_space<semaphore_mem>> -> memref<!tpu.dma_semaphore, #tpu.memory_space<semaphore_mem>>
    %dma_wait3A_657 = tpu.memref_slice %arg8[%multiple_of3A, %add3A_647] : memref<128x65536xf32, #tpu.memory_space<hbm>> -> memref<8x4096xf32, #tpu.memory_space<hbm>>
    %dma_wait3A_658 = arith.constant 0 : i32
    %dma_wait3A_659 = arith.constant 0 : i32
    %dma_wait3A_660 = tpu.memref_slice %arg11[%dma_wait3A_648, %dma_wait3A_658, %dma_wait3A_659] : memref<3x8x4096xf32, #tpu.memory_space<vmem>> -> memref<1x8x4096xf32, #tpu.memory_space<vmem>>
    %dma_wait3A_661 = tpu.memref_squeeze %dma_wait3A_660 : memref<1x8x4096xf32, #tpu.memory_space<vmem>> -> memref<8x4096xf32, #tpu.memory_space<vmem>>
    tpu.wait_dma2 semaphore(%dma_wait3A_656 : memref<!tpu.dma_semaphore, #tpu.memory_space<semaphore_mem>>) src(%dma_wait3A_661 : memref<8x4096xf32, #tpu.memory_space<vmem>>) dst(%dma_wait3A_657 : memref<8x4096xf32, #tpu.memory_space<hbm>>)
    return
  }
}

</mosaic_0001>

<sc_bundles>
// kernel: kernel.3.cloned.1.call-start
scs
__scs_entry_jumppad:
0x0: {  	(pc) =	sbr.rel $0x88, $3  }
0x1: {  	(tag) =	ssettag $0x0;
	lr =	simm.s32 $0x1  }
0x2: {  	[smem:$0x3F9C] =	sst lr;
	_ =	strace $0xD0000000  }
0x3: {  	_ = 	snop  }
0x4: {  	_ = 	snop  }
0x5: {  	_ = 	snop  }
0x6: {  	_ = 	snop  }
0x7: {  	_ = 	snop  }
__scs_overlays_trampoline_lowered:
0x8: {  	[smem:$0x3FAB] =	sst s0  }
0x9: {  	[smem:$0x3FAC] =	sst s1  }
0xa: {  	[smem:$0x3FAD] =	sst s2  }
0xb: {  	[smem:$0x3FAE] =	sst s3  }
0xc: {  	[smem:$0x3FAF] =	sst s4  }
0xd: {  	[smem:$0x3FB0] =	sst s5  }
0xe: {  	[smem:$0x3FB1] =	sst s6  }
0xf: {  	[smem:$0x3FB2] =	sst s7  }
0x10: {  	[smem:$0x3FB3] =	sst s8  }
0x11: {  	[smem:$0x3FB4] =	sst s9;
	s0 =	simm.s32 @!p0 $0x0  }
0x12: {  	s1 =	sld [smem:$0x3F9A];
	s0 =	simm.s32 @p0 $0x1  }
0x13: {  	[smem:$0x3FB5] =	sst s0;
	s0 =	simm.s32 @!p1 $0x0  }
0x14: {  	s2 =	sld [smem:$0x3F99];
	s0 =	simm.s32 @p1 $0x1  }
0x15: {  	[smem:$0x3FB6] =	sst s0;
	s0 =	simm.s32 @!p2 $0x0  }
0x16: {  	s3 =	sld [smem:$0x3FDB];
	s0 =	simm.s32 @p2 $0x1  }
0x17: {  	s4 =	simm.s32 $0x1BF5;
	[smem:$0x3FB8] =	sst s0  }
0x18: {  	s0 =	sld [smem:$0x3F9B];
	_ =	swait.ge [sflag:s4], $0x0  }
0x19: {  	s7 =	sld [smem:$0x3F9C]  }
0x1a: {  	s8 =	sadd.s32 $0xFFFFE003, lr  }
0x1b: {  	s9 =	sadd.s32 $0xFFFFFEF7, lr;
	s5 =	simm.s32 $0xFFFFFFFF;
	p2 =	slt.u32 s8, $0xFFFFF086  }
0x1c: {  	p1 =	slt.u32 s9, $0xF7A;
	s5 =	simm.s32 @!p2 $0x0  }
0x1d: {  	s5 =	simm.s32 @p1 $0x1;
	p0 =	seq.s32 s7, s2  }
0x1e: {  	s7 =	smul.u32 @!p0 $0xF7A, s2;
	p2 =	seq.s32 @!p0 s5, $0x0  }
0x1f: {  	s9 =	smul.u32 $0xF7A, s1;
	s8 =	simm.s32 @!p0 $0x1BF5;
	p2 =	por !p2, p0  }
0x20: {  	[sflag:s8] =	ssyncset.s32 @!p0 $0xFFFFF086;
	s6 =	sadd.s32 @!p0 s3, s7;
	s7 =	simm.s32 @!p0 $0x108  }
0x21: {  	s3 =	sadd.s32 s3, s9;
	s6 =	sadd.s32 @!p0 $0x88, s6;
	s7 =	simm.s32 @p2 $0x1082  }
0x22: {  	[simem:s7], [sflag:s8] =	dma.local @!p0 [hbm:s6], $0xF7A  }
0x23: {  	s9 =	sor.u32 $0xD0000000, s2;
	s6 =	simm.s32 $0x108;
	_ =	swait.ge @!p0 [sflag:s8], $0x0  }
0x24: {  	s3 =	sadd.s32 $0x88, s3;
	s6 =	simm.s32 @!p1 $0x1082;
	[sflag:s4] =	ssyncset.s32 $0xFFFFF086  }
0x25: {  	[simem:s6], [sflag:s4] =	dma.local [hbm:s3], $0xF7A  }
0x26: {  	[smem:$0x3F9C] =	sst s1;
	(tag) =	ssettag s2;
	_ =	strace s9  }
0x27: {  	s1 =	sld [smem:$0x3FAC]  }
0x28: {  	s2 =	sld [smem:$0x3FAD]  }
0x29: {  	s4 =	sld [smem:$0x3FAF]  }
0x2a: {  	p0 =	seq.s32 s5, $0x0;
	s5 =	sld [smem:$0x3FB0]  }
0x2b: {  	s6 =	sld [smem:$0x3FB1]  }
0x2c: {  	s7 =	sld [smem:$0x3FB2]  }
0x2d: {  	s3 =	simm.s32 $0x108;
	s8 =	sld [smem:$0x3FB3]  }
0x2e: {  	s3 =	simm.s32 @!p0 $0x1082;
	s9 =	sld [smem:$0x3FB4]  }
0x2f: {  	lr =	sadd.s32 s0, s3;
	s0 =	sld [smem:$0x3FAB]  }
0x30: {  	s3 =	sld [smem:$0x3FAE]  }
0x31: {  	[smem:$0x3FB7] =	sst s10  }
0x32: {  	s10 =	sld [smem:$0x3FB5];
	_ =	sdelay $0x3  }
0x33: {  	p0 =	seq.s32 s10, $0x1;
	s10 =	sld [smem:$0x3FB7];
	_ =	sdelay $0x3  }
0x34: {  	[smem:$0x3FB7] =	sst s10  }
0x35: {  	s10 =	sld [smem:$0x3FB6];
	_ =	sdelay $0x3  }
0x36: {  	p1 =	seq.s32 s10, $0x1;
	s10 =	sld [smem:$0x3FB7];
	_ =	sdelay $0x3  }
0x37: {  	[smem:$0x3FB7] =	sst s10  }
0x38: {  	s10 =	sld [smem:$0x3FB8]  }
0x39: {  	_ = 	snop;
	(pc) =	sbr.ind lr, $3  }
0x3a: {  	_ = 	snop  }
0x3b: {  	_ = 	snop  }
0x3c: {  	p2 =	seq.s32 s10, $0x1;
	s10 =	sld [smem:$0x3FB7]  }
0x3d: {  	_ =	shalt  }
0x3e: {  	_ =	shalt  }
0x3f: {  	_ =	shalt  }
0x40: {  	_ =	shalt  }
0x41: {  	_ =	shalt  }
0x42: {  	_ =	shalt  }
0x43: {  	_ =	shalt  }
0x44: {  	_ =	shalt  }
0x45: {  	_ =	shalt  }
0x46: {  	_ =	shalt  }
0x47: {  	_ =	shalt  }
0x48: {  	_ =	shalt  }
0x49: {  	_ =	shalt  }
0x4a: {  	_ =	shalt  }
0x4b: {  	_ =	shalt  }
0x4c: {  	_ =	shalt  }
0x4d: {  	_ =	shalt  }
0x4e: {  	_ =	shalt  }
0x4f: {  	_ =	shalt  }
0x50: {  	_ =	shalt  }
0x51: {  	_ =	shalt  }
0x52: {  	_ =	shalt  }
0x53: {  	_ =	shalt  }
0x54: {  	_ =	shalt  }
0x55: {  	_ =	shalt  }
0x56: {  	_ =	shalt  }
0x57: {  	_ =	shalt  }
0x58: {  	_ =	shalt  }
0x59: {  	_ =	shalt  }
0x5a: {  	_ =	shalt  }
0x5b: {  	_ =	shalt  }
0x5c: {  	_ =	shalt  }
0x5d: {  	_ =	shalt  }
0x5e: {  	_ =	shalt  }
0x5f: {  	_ =	shalt  }
0x60: {  	_ =	shalt  }
0x61: {  	_ =	shalt  }
0x62: {  	_ =	shalt  }
0x63: {  	_ =	shalt  }
0x64: {  	_ =	shalt  }
0x65: {  	_ =	shalt  }
0x66: {  	_ =	shalt  }
0x67: {  	_ =	shalt  }
0x68: {  	_ =	shalt  }
0x69: {  	_ =	shalt  }
0x6a: {  	_ =	shalt  }
0x6b: {  	_ =	shalt  }
0x6c: {  	_ =	shalt  }
0x6d: {  	_ =	shalt  }
0x6e: {  	_ =	shalt  }
0x6f: {  	_ =	shalt  }
0x70: {  	_ =	shalt  }
0x71: {  	_ =	shalt  }
0x72: {  	_ =	shalt  }
0x73: {  	_ =	shalt  }
0x74: {  	_ =	shalt  }
0x75: {  	_ =	shalt  }
0x76: {  	_ =	shalt  }
0x77: {  	_ =	shalt  }
0x78: {  	_ =	shalt  }
0x79: {  	_ =	shalt  }
0x7a: {  	_ =	shalt  }
0x7b: {  	_ =	shalt  }
0x7c: {  	_ =	shalt  }
0x7d: {  	_ =	shalt  }
0x7e: {  	_ =	shalt  }
0x7f: {  	_ =	shalt  }
0x80: {  	_ =	shalt  }
0x81: {  	_ =	shalt  }
0x82: {  	_ =	shalt  }
0x83: {  	_ =	shalt  }
0x84: {  	_ =	shalt  }
0x85: {  	_ =	shalt  }
0x86: {  	_ =	shalt  }
0x87: {  	_ =	shalt  }
.Lfunc_end0:
.L_simem_size_0:
called_computation_lowered:
.L_overlay_start_0:
0x88: {  	s2 =	sld [smem:$0x3FD9]  }
0x89: {  	s3 =	sld [smem:$0x3FFE];
	_ =	sdelay $0x1  }
0x8a: {  	s1 =	srdreg.scid  }
0x8b: {  	s0 =	sand.u32 $0x1, s1  }
0x8c: {  	s14 =	sshll.u32 s0, $0xA;
	s2 =	sadd.s32 s3, s2  }
0x8d: {  	s2 =	sadd.s32 s2, s14  }
0x8e: {  	[smem:$0x3FC3] =	sst s2  }
0x8f: {  	_ = 	snop  }
0x90: {  	s2 =	sld [smem:$0x3FD0]  }
0x91: {  	s15 =	sld [smem:$0x3FC8]  }
0x92: {  	s4 =	sld [smem:$0x3FC7]  }
0x93: {  	s6 =	simm.s32 $0xA;
	s7 =	simm.s32 $0x10;
	s5 =	sld [smem:$0x3FC6]  }
0x94: {  	[smem:s7], [sflag:s6] =	dma.local [hbm:s2], $0x1  }
0x95: {  	_ =	swait.eq [sflag:s6], $0x1  }
0x96: {  	[sflag:s6] =	ssyncset.done $0x0  }
0x97: {  	s16 =	sld [smem:$0x10];
	[sflag:s6] =	ssyncadd.s32 $0xFFFFFFFF  }
0x98: {  	s17 =	sld [smem:$0x11];
	(tm) =	ssettm $0x1  }
0x99: {  	s18 =	sld [smem:$0x3FFB];
	_ =	sdelay $0x3  }
0x9a: {  	_ =	strace s18  }
0x9b: {  	s7 =	sld [smem:$0x3FFC];
	_ =	sdelay $0x3  }
0x9c: {  	_ =	strace s7  }
0x9d: {  	s7 =	sld [smem:$0x3FFD];
	_ =	sdelay $0x3  }
0x9e: {  	_ =	strace s7  }
0x9f: {  	_ =	strace $0x8FFFFFFF  }
0xa0: {  	s19 =	sld [smem:$0x3FDB];
	_ =	sdelay $0x1  }
0xa1: {  	s8 =	simm.s32 $_scs_section_size  }
0xa2: {  	s9 =	simm.s32 $_size__tile_overlayer_lowered;
	s10 =	simm.s32 $_tile_overlayer_lowered  }
0xa3: {  	s22 =	simm.s32 $0x1BFF;
	s21 =	sshll.u32 s10, $0x1;
	s7 =	sadd.s32 s8, s19  }
0xa4: {  	s11 =	simm.s32 $0x0;
	s20 =	sshll.u32 s9, $0x1;
	s9 =	sadd.s32 s21, s7  }
0xa5: {  	[timem:s11], [sflag:s22] =	dma.local [hbm:s9], s20  }
0xa6: {  	_ =	swait.ge [sflag:s22], s20  }
0xa7: {  	s8 =	ssub.s32 $0x0, s20;
	[sflag:s22] =	ssyncset.done $0x0  }
0xa8: {  	[sflag:s22] =	ssyncadd.s32 s8;
	_ =	sdelay $0x1  }
0xa9: {  	s23 =	simm.s32 $0x1B8B  }
0xaa: {  	_ =	swait.ge [sflag:s23], $0x1  }
0xab: {  	[sflag:s23] =	ssyncset.done $0x0  }
0xac: {  	s25 =	simm.s32 $0x1B8E;
	s24 =	sld [smem:$0x3FFE];
	[sflag:s23] =	ssyncadd.s32 $0xFFFFFFFF  }
0xad: {  	s26 =	simm.s32 $execute0_lowered;
	[smem:$0x3FD2] =	sst s25  }
0xae: {  	s9 =	sshll.u32 s26, $0x1;
	_ =	strace $0x80000046;
	[dreg:$0x1] =	wrdreg $0xFFFFFFFF  }
0xaf: {  	s28 =	simm.s32 $_size_execute0_lowered;
	s7 =	sadd.s32 s7, s9;
	[dreg:$0x0] =	wrdreg $0x0  }
0xb0: {  	s9 =	sshll.u32 s28, $0x1;
	[dreg:$0x2] =	wrdreg s7  }
0xb1: {  	[dreg:$0x3] =	wrdreg s9  }
0xb2: {  	[dreg:$0x4] =	wrdreg $0xC0  }
0xb3: {  	_ =	task [dreg:s11], $0x5FFFF  }
0xb4: {  	[dreg:$0x1] =	wrdreg $0xFFFFFFFF  }
0xb5: {  	[dreg:$0x0] =	wrdreg $0x60  }
0xb6: {  	[dreg:$0x2] =	wrdreg s24  }
0xb7: {  	[dreg:$0x3] =	wrdreg s15  }
0xb8: {  	[dreg:$0x4] =	wrdreg s4  }
0xb9: {  	[dreg:$0x5] =	wrdreg s5  }
0xba: {  	[dreg:$0x6] =	wrdreg s16  }
0xbb: {  	[dreg:$0x7] =	wrdreg s17  }
0xbc: {  	[dreg:$0x8] =	wrdreg $0x9  }
0xbd: {  	_ =	task.clear_ibuf [dreg:s11], $0x9FFFF;
	_ =	strace $0x90000046  }
0xbe: {  	s29 =	simm.s32 $0x9;
	_ =	strace $0x80000048  }
0xbf: {  	_ =	swait.ge [sflag:s29], $0x1  }
0xc0: {  	[sflag:s29] =	ssyncadd.s32 $0xFFFFFFFF  }
0xc1: {  	_ =	strace $0x90000048  }
0xc2: {  	_ =	sfence  }
0xc3: {  	s30 =	sld [smem:$0x0];
	_ =	sdelay $0x2  }
0xc4: {  	s31 =	sshll.u32 s1, $0xD;
	s1 =	sshrl.u32 s1, $0x2  }
0xc5: {  	s3 =	sand.u32 $0x4000, s31;
	s1 =	sadd.s32 s1, s30  }
0xc6: {  	s0 =	sor.u32 s3, s0;
	s1 =	sshll.u32 s1, $0x11  }
0xc7: {  	s0 =	sor.u32 s1, s0  }
0xc8: {  	s0 =	sadd.s32 $0x8F2B, s0  }
0xc9: {  	[sflag:s0] =	ssyncadd.remote.s32 $0x1  }
0xca: {  	_ =	sfence.sel $0xFFFF  }
0xcb: {  	[dreg:$0x0] =	wrdreg $0xFFFFFFFF;
	(pc) =	sbr.abs _section_cstart, $3  }
0xcc: {  	[dreg:$0x1] =	wrdreg $0xFFFFFFFF  }
0xcd: {  	_ =	task.clear_ibuf [dreg:s11], $0x2FFFF;
	_ =	strace $0x9FFFFFFF  }
0xce: {  	(tm) =	ssettm $0x7FFFFFFF  }
0xcf: {  	_ =	shalt  }
tec
execute0_lowered:
.L_overlay_start_1:
0x0: {  	(tag) =	ssettag $0x1  }
0x1: {  	s8 =	rddreg [dreg:$0x0]  }
0x2: {  	s1 =	rddreg [dreg:$0x1]  }
0x3: {  	s4 =	rddreg [dreg:$0x2]  }
0x4: {  	s11 =	rddreg [dreg:$0x3]  }
0x5: {  	s3 =	rddreg [dreg:$0x4]  }
0x6: {  	s2 =	srdreg.scid;
	s12 =	rddreg [dreg:$0x5]  }
0x7: {  	s0 =	stileid.u32;
	s5 =	simm.s32 $0x1;
	[dreg:$0x7] =	wrdreg s1  }
0x8: {  	s6 =	sand.u32 $0x1, s2;
	s24 =	sshll.u32 s0, $0x1;
	s1 =	rddreg [dreg:$0x6]  }
0x9: {  	s2 =	simm.s32 $0x0;
	s25 =	sadd.s32 $0x4800, s8;
	s9 =	sor.u32 s6, s24  }
0xa: {  	p1 =	seq.s32 s6, $0x1;
	[smem:$0x7FF] =	sst s2;
	p0 =	seq.s32 s9, $0x0  }
0xb: {  	s13 =	sshll.u32 s6, $0x12;
	s7 =	sshll.u32 s6, $0xF;
	p0 =	por !p0, !p1  }
0xc: {  	_ =	strace $0x80000047;
	[dreg:$0x8] =	wrdreg s25;
	p0 =	por !p0, !p0  }
0xd: {  	s17 =	sshll.u32 s9, $0x8;
	s18 =	sadd.s32 $0x8000, s7;
	s5 =	simm.s32 @!p0 $0x0  }
0xe: {  	s11 =	sadd.s32 s11, s17;
	[dreg:$0xf] =	wrdreg s18;
	s5 =	ssub.s32 s0, s5  }
0xf: {  	s17 =	sadd.s32 s12, s17;
	[dreg:$0xc] =	wrdreg s11;
	s10 =	sshll.u32 s5, $0x13  }
0x10: {  	[dreg:$0xe] =	wrdreg s17;
	s17 =	simm.s32 $0x18800;
	s14 =	sshrl.u32 s10, $0x3  }
0x11: {  	[dreg:$0x1d] =	wrdreg s17;
	s10 =	sor.u32 s13, s10;
	s14 =	sor.u32 s7, s14  }
0x12: {  	s15 =	sshrl.u32 s10, $0x3;
	s10 =	sshll.u32 s9, $0xB;
	s26 =	sadd.s32 s4, s14  }
0x13: {  	s31 =	sadd.s32 $0x800, s10;
	[dreg:$0x9] =	wrdreg s26  }
0x14: {  	s19 =	sadd.s32 s3, s14;
	[dreg:$0xd] =	wrdreg s31  }
0x15: {  	s28 =	sor.u32 $0x1000, s15;
	[dreg:$0x10] =	wrdreg s19  }
0x16: {  	s16 =	sor.u32 $0x2000, s15;
	s29 =	sadd.s32 s4, s28;
	s19 =	rddreg [dreg:$0x8]  }
0x17: {  	s20 =	sor.u32 $0x3000, s15;
	s30 =	sadd.s32 s4, s16;
	[dreg:$0xa] =	wrdreg s29  }
0x18: {  	s21 =	sadd.s32 s4, s20;
	[dreg:$0xb] =	wrdreg s30  }
0x19: {  	s23 =	sor.u32 $0x4000, s15;
	s22 =	sadd.s32 s3, s28;
	[dreg:$0x11] =	wrdreg s21  }
0x1a: {  	s24 =	sadd.s32 s4, s23;
	[dreg:$0x12] =	wrdreg s22  }
0x1b: {  	s25 =	sadd.s32 s3, s16;
	[dreg:$0x13] =	wrdreg s24  }
0x1c: {  	s26 =	sor.u32 $0x5000, s15;
	s13 =	sadd.s32 s3, s23;
	[dreg:$0x14] =	wrdreg s25  }
0x1d: {  	s28 =	sadd.s32 s4, s26;
	[dreg:$0x18] =	wrdreg s13  }
0x1e: {  	s29 =	sadd.s32 s3, s20;
	[dreg:$0x15] =	wrdreg s28  }
0x1f: {  	s30 =	sor.u32 $0x6000, s15;
	s16 =	sadd.s32 s3, s26;
	[dreg:$0x16] =	wrdreg s29  }
0x20: {  	s15 =	sor.u32 $0x7000, s15;
	s31 =	sadd.s32 s4, s30;
	[dreg:$0x1a] =	wrdreg s16  }
0x21: {  	s4 =	sadd.s32 s4, s15;
	[dreg:$0x17] =	wrdreg s31  }
0x22: {  	[dreg:$0x19] =	wrdreg s4  }
0x23: {  	s18 =	sadd.s32 s3, s30;
	s4 =	rddreg [dreg:$0x1d]  }
0x24: {  	s3 =	sadd.s32 s3, s15;
	[dreg:$0x1b] =	wrdreg s18  }
0x25: {  	s14 =	simm.s32 $0x8;
	[dreg:$0x1c] =	wrdreg s3  }
0x26: {  	[tilespmem:s4], [sflag:$0x8] =	stream.linear.gather [hbm4b:s19+s2], $0x80, $0x38;
	[tilespmem:$0x18880] =	vst v63  }
0x27: {  	_ =	swait.ge [sflag:s14], $0x80  }
0x28: {  	[sflag:s14] =	ssyncset.done $0x0  }
0x29: {  	[sflag:s14] =	ssyncadd.s32 $0xFFFFFF80  }
0x2a: {  	v0 =	vld [tilespmem:$0x18800];
	_ =	sdelay $0x4  }
0x2b: {  	(v2sf) =	vpush v0, $0x0;
	_ =	sdelay $0x5  }
0x2c: {  	s20 =	rddreg [dreg:$0x9]  }
0x2d: {  	[tilespmem:s2], [sflag:$0x1] =	stream.linear.gather [hbm4b:s20+s2], $0x8000, $0x38;
	[tilespmem:$0x18880] =	vst v63  }
0x2e: {  	s3 =	simm.s32 $0x8000;
	s21 =	rddreg [dreg:$0xa]  }
0x2f: {  	[tilespmem:s3], [sflag:$0x2] =	stream.linear.gather [hbm4b:s21+s2], $0x8000, $0x38;
	[tilespmem:$0x18880] =	vst v63  }
0x30: {  	s6 =	ssub.s32 $0x2, s6;
	s4 =	simm.s32 $0x10000;
	s22 =	rddreg [dreg:$0xb]  }
0x31: {  	[tilespmem:s4], [sflag:$0x3] =	stream.linear.gather [hbm4b:s22+s2], $0x8000, $0x38;
	[tilespmem:$0x18880] =	vst v63  }
0x32: {  	s15 =	simm.s32 $0x18000;
	s18 =	sshrl.u32 s6, $0x1;
	s23 =	rddreg [dreg:$0xc]  }
0x33: {  	[tilespmem:s15], [sflag:$0x8] =	stream.linear.gather [hbm4b:s23+s2], $0x800, $0x38;
	[tilespmem:$0x18880] =	vst v63  }
0x34: {  	s24 =	sshll.u32 s5, $0xA;
	s6 =	ssub.s32 s6, s18;
	_ =	swait.ge [sflag:s14], $0x800  }
0x35: {  	s5 =	simm.s32 $0x1;
	s31 =	smax.u32 s6, $0x1;
	s12 =	spop (v2sf)  }
0x36: {  	s11 =	rddreg [dreg:$0xd];
	[sflag:s14] =	ssyncset.done $0x0;
	p0 =	slt.s32 s12, s10  }
0x37: {  	s6 =	simm.s32 $0x4;
	[sflag:s14] =	ssyncadd.s32 $0xFFFFF800;
	p1 =	sge.s32 @!p0 s12, s11  }
0x38: {  	s26 =	ssub.s32 s12, s7;
	s29 =	sand.u32 $0xC00, s12;
	p0 =	por p1, p0  }
0x39: {  	s11 =	rddreg [dreg:$0x7];
	s28 =	sshra.s32 s26, $0x1F;
	s13 =	ssub.s32 @!p0 s12, s10  }
0x3a: {  	s16 =	simm.s32 @!p0 $0x0;
	s17 =	simm.s32 @!p0 $0x8;
	s13 =	sadd.s32 @!p0 $0x18000, s13  }
0x3b: {  	[tilespmem:s13], [sflag:$0x8] =	stream.linear.gather @!p0 [hbm4b:s11+s16], $0x400, $0x38;
	[tilespmem:$0x18880] =	vst v63  }
0x3c: {  	p2 =	sne.s32 s29, $0x0;
	p1 =	sne.s32 s12, s7;
	_ =	swait.ge @!p0 [sflag:s17], $0x400  }
0x3d: {  	s11 =	sand.u32 $0x1FFFFC00, s24;
	s13 =	simm.s32 $0x1;
	[sflag:s17] =	ssyncset.done @!p0 $0x0  }
0x3e: {  	s13 =	simm.s32 @!p1 $0x0;
	s25 =	rddreg [dreg:$0xe];
	[sflag:s17] =	ssyncadd.s32 @!p0 $0xFFFFFC00  }
0x3f: {  	[hbm4b:s25+s2] =	stream.linear.scatter [tilespmem:s15], [sflag:$0x8], $0x800, $0x38;
	[tilespmem:$0x18880] =	vst v63  }
0x40: {  	s8 =	sadd.s32 s11, s8;
	s13 =	sor.u32 s13, s28;
	_ =	swait.ge [sflag:s14], $0x800  }
0x41: {  	p0 =	sne.s32 s9, $0x1;
	p6 =	sne.s32 s13, $0x1;
	[sflag:s14] =	ssyncset.done $0x0  }
0x42: {  	s9 =	sshrl.u32 s28, $0x14;
	s16 =	simm.s32 @!p0 $0x7;
	[sflag:s14] =	ssyncadd.s32 $0xFFFFF800  }
0x43: {  	s13 =	simm.s32 $0x1;
	p1 =	por !p2, !p6;
	_ =	swait.ge @!p0 [sflag:s16], $0x80  }
0x44: {  	s9 =	sadd.s32 s9, s26;
	p1 =	por !p1, !p1;
	[sflag:s16] =	ssyncset.done @!p0 $0x0  }
0x45: {  	s9 =	sshra.s32 s9, $0xC;
	s13 =	simm.s32 @!p1 $0x0;
	[sflag:s16] =	ssyncadd.s32 @!p0 $0xFFFFFF80  }
0x46: {  	s8 =	sadd.s32 $0x600, s8;
	s18 =	ssub.s32 s9, s13;
	_ =	swait.ge @!p0 [sflag:s16], $0x80  }
0x47: {  	s17 =	sadd.s32 $0xFFFFFFFF, s31;
	s13 =	sshll.u32 s18, $0xC;
	s30 =	rddreg [dreg:$0xf]  }
0x48: {  	p2 =	sge.s32 s12, s7;
	s19 =	ssub.s32 s26, s13;
	p1 =	slt.s32 s12, s30  }
0x49: {  	s13 =	simm.s32 $0x3;
	[sflag:s16] =	ssyncset.done @!p0 $0x0;
	s18 =	simm.s32 @!p1 $0xFFFFFFFF  }
0x4a: {  	[sflag:s16] =	ssyncadd.s32 @!p0 $0xFFFFFF80;
	p1 =	sne.s32 s17, $0x0;
	s18 =	simm.s32 @!p2 $0xFFFFFFFF  }
.Ltmp0:
0x4b: {  	_ =	swait.ge [sflag:s5], $0x8000;
	p2 =	sne.s32 s18, $0x0;
	(pc) =	sbr.rel @!p1 .LBB2_2-.Ltmp0, $4  }
0x4c: {  	s12 =	simm.s32 $0x2;
	[sflag:s5] =	ssyncset.done $0x0;
	s9 =	sshll.u32 @!p2 s19, $0x5  }
0x4d: {  	[sflag:s5] =	ssyncadd.s32 $0xFFFF8000;
	s11 =	simm.s32 @!p2 $0x0;
	s9 =	sshra.s32 @!p2 s9, $0x2  }
0x4e: {  	[tilespmem:s9], [sflag:$0x8] =	stream.linear.gather @!p2 [hbm4b:s8+s11], $0x2000, $0x38;
	[tilespmem:$0x18880] =	vst v63  }
0x4f: {  	s20 =	simm.s32 @!p2 $0x8;
	s9 =	simm.s32 $0x5;
	s11 =	simm.s32 $0x6  }
.LBB2_1:
0x50: {  	_ =	swait.ge @!p2 [sflag:s20], $0x2000  }
0x51: {  	[sflag:s20] =	ssyncset.done @!p2 $0x0  }
0x52: {  	s21 =	rddreg [dreg:$0x10];
	[sflag:s20] =	ssyncadd.s32 @!p2 $0xFFFFE000  }
0x53: {  	[hbm4b:s21+s2] =	stream.linear.scatter [tilespmem:s2], [sflag:$0x4], $0x8000, $0x38;
	[tilespmem:$0x18880] =	vst v63  }
0x54: {  	_ =	swait.ge [sflag:s6], $0x8000  }
0x55: {  	[sflag:s6] =	ssyncset.done $0x0  }
0x56: {  	p2 =	sne.s32 s18, $0x1;
	s30 =	rddreg [dreg:$0x11];
	[sflag:s6] =	ssyncadd.s32 $0xFFFF8000  }
0x57: {  	[tilespmem:s2], [sflag:$0x1] =	stream.linear.gather [hbm4b:s30+s2], $0x8000, $0x38;
	[tilespmem:$0x18880] =	vst v63  }
0x58: {  	s20 =	sshll.u32 @!p2 s19, $0x5;
	_ =	swait.ge [sflag:s12], $0x8000  }
0x59: {  	s21 =	simm.s32 @!p2 $0x8;
	s20 =	sshra.s32 @!p2 s20, $0x2;
	[sflag:s12] =	ssyncset.done $0x0  }
0x5a: {  	s22 =	simm.s32 @!p2 $0x0;
	s20 =	sadd.s32 @!p2 $0x8000, s20;
	[sflag:s12] =	ssyncadd.s32 $0xFFFF8000  }
0x5b: {  	[tilespmem:s20], [sflag:$0x8] =	stream.linear.gather @!p2 [hbm4b:s8+s22], $0x2000, $0x38;
	[tilespmem:$0x18880] =	vst v63  }
0x5c: {  	_ =	swait.ge @!p2 [sflag:s21], $0x2000  }
0x5d: {  	[sflag:s21] =	ssyncset.done @!p2 $0x0  }
0x5e: {  	s31 =	rddreg [dreg:$0x12];
	[sflag:s21] =	ssyncadd.s32 @!p2 $0xFFFFE000  }
0x5f: {  	[hbm4b:s31+s2] =	stream.linear.scatter [tilespmem:s3], [sflag:$0x5], $0x8000, $0x38;
	[tilespmem:$0x18880] =	vst v63  }
0x60: {  	_ =	swait.ge [sflag:s9], $0x8000  }
0x61: {  	[sflag:s9] =	ssyncset.done $0x0  }
0x62: {  	p2 =	sne.s32 s18, $0x2;
	s22 =	rddreg [dreg:$0x13];
	[sflag:s9] =	ssyncadd.s32 $0xFFFF8000  }
0x63: {  	[tilespmem:s3], [sflag:$0x2] =	stream.linear.gather [hbm4b:s22+s2], $0x8000, $0x38;
	[tilespmem:$0x18880] =	vst v63  }
0x64: {  	s20 =	sshll.u32 @!p2 s19, $0x5;
	_ =	swait.ge [sflag:s13], $0x8000  }
0x65: {  	s21 =	simm.s32 @!p2 $0x8;
	s20 =	sshra.s32 @!p2 s20, $0x2;
	[sflag:s13] =	ssyncset.done $0x0  }
0x66: {  	s20 =	sadd.s32 @!p2 $0x10000, s20;
	s22 =	simm.s32 @!p2 $0x0;
	[sflag:s13] =	ssyncadd.s32 $0xFFFF8000  }
0x67: {  	[tilespmem:s20], [sflag:$0x8] =	stream.linear.gather @!p2 [hbm4b:s8+s22], $0x2000, $0x38;
	[tilespmem:$0x18880] =	vst v63  }
0x68: {  	_ =	swait.ge @!p2 [sflag:s21], $0x2000  }
0x69: {  	[sflag:s21] =	ssyncset.done @!p2 $0x0  }
0x6a: {  	s23 =	rddreg [dreg:$0x14];
	[sflag:s21] =	ssyncadd.s32 @!p2 $0xFFFFE000  }
0x6b: {  	[hbm4b:s23+s2] =	stream.linear.scatter [tilespmem:s4], [sflag:$0x6], $0x8000, $0x38;
	[tilespmem:$0x18880] =	vst v63  }
0x6c: {  	_ =	swait.ge [sflag:s11], $0x8000  }
0x6d: {  	[sflag:s11] =	ssyncset.done $0x0  }
0x6e: {  	s24 =	rddreg [dreg:$0x15];
	[sflag:s11] =	ssyncadd.s32 $0xFFFF8000  }
0x6f: {  	[tilespmem:s4], [sflag:$0x3] =	stream.linear.gather [hbm4b:s24+s2], $0x8000, $0x38;
	[tilespmem:$0x18880] =	vst v63  }
0x70: {  	p2 =	sne.s32 s18, $0x3;
	_ =	swait.ge [sflag:s5], $0x8000  }
0x71: {  	s20 =	sshll.u32 @!p2 s19, $0x5;
	s21 =	simm.s32 @!p2 $0x8;
	[sflag:s5] =	ssyncset.done $0x0  }
0x72: {  	s22 =	simm.s32 @!p2 $0x0;
	s20 =	sshra.s32 @!p2 s20, $0x2;
	[sflag:s5] =	ssyncadd.s32 $0xFFFF8000  }
0x73: {  	[tilespmem:s20], [sflag:$0x8] =	stream.linear.gather @!p2 [hbm4b:s8+s22], $0x2000, $0x38;
	[tilespmem:$0x18880] =	vst v63  }
0x74: {  	_ =	swait.ge @!p2 [sflag:s21], $0x2000  }
0x75: {  	[sflag:s21] =	ssyncset.done @!p2 $0x0  }
0x76: {  	s25 =	rddreg [dreg:$0x16];
	[sflag:s21] =	ssyncadd.s32 @!p2 $0xFFFFE000  }
0x77: {  	[hbm4b:s25+s2] =	stream.linear.scatter [tilespmem:s2], [sflag:$0x4], $0x8000, $0x38;
	[tilespmem:$0x18880] =	vst v63  }
0x78: {  	_ =	swait.ge [sflag:s6], $0x8000  }
0x79: {  	[sflag:s6] =	ssyncset.done $0x0  }
0x7a: {  	p2 =	sne.s32 s18, $0x4;
	s26 =	rddreg [dreg:$0x17];
	[sflag:s6] =	ssyncadd.s32 $0xFFFF8000  }
0x7b: {  	[tilespmem:s2], [sflag:$0x1] =	stream.linear.gather [hbm4b:s26+s2], $0x8000, $0x38;
	[tilespmem:$0x18880] =	vst v63  }
0x7c: {  	s20 =	sshll.u32 @!p2 s19, $0x5;
	_ =	swait.ge [sflag:s12], $0x8000  }
0x7d: {  	s21 =	simm.s32 @!p2 $0x8;
	s20 =	sshra.s32 @!p2 s20, $0x2;
	[sflag:s12] =	ssyncset.done $0x0  }
0x7e: {  	s22 =	simm.s32 @!p2 $0x0;
	s20 =	sadd.s32 @!p2 $0x8000, s20;
	[sflag:s12] =	ssyncadd.s32 $0xFFFF8000  }
0x7f: {  	[tilespmem:s20], [sflag:$0x8] =	stream.linear.gather @!p2 [hbm4b:s8+s22], $0x2000, $0x38;
	[tilespmem:$0x18880] =	vst v63  }
0x80: {  	_ =	swait.ge @!p2 [sflag:s21], $0x2000  }
0x81: {  	[sflag:s21] =	ssyncset.done @!p2 $0x0  }
0x82: {  	s28 =	rddreg [dreg:$0x18];
	[sflag:s21] =	ssyncadd.s32 @!p2 $0xFFFFE000  }
0x83: {  	[hbm4b:s28+s2] =	stream.linear.scatter [tilespmem:s3], [sflag:$0x5], $0x8000, $0x38;
	[tilespmem:$0x18880] =	vst v63  }
0x84: {  	_ =	swait.ge [sflag:s9], $0x8000  }
0x85: {  	[sflag:s9] =	ssyncset.done $0x0  }
0x86: {  	p2 =	sne.s32 s18, $0x5;
	s29 =	rddreg [dreg:$0x19];
	[sflag:s9] =	ssyncadd.s32 $0xFFFF8000  }
0x87: {  	[tilespmem:s3], [sflag:$0x2] =	stream.linear.gather [hbm4b:s29+s2], $0x8000, $0x38;
	[tilespmem:$0x18880] =	vst v63  }
0x88: {  	s20 =	sshll.u32 @!p2 s19, $0x5;
	_ =	swait.ge [sflag:s13], $0x8000  }
0x89: {  	s21 =	simm.s32 @!p2 $0x8;
	s20 =	sshra.s32 @!p2 s20, $0x2;
	[sflag:s13] =	ssyncset.done $0x0  }
0x8a: {  	s22 =	simm.s32 @!p2 $0x0;
	s20 =	sadd.s32 @!p2 $0x10000, s20;
	[sflag:s13] =	ssyncadd.s32 $0xFFFF8000  }
0x8b: {  	[tilespmem:s20], [sflag:$0x8] =	stream.linear.gather @!p2 [hbm4b:s8+s22], $0x2000, $0x38;
	[tilespmem:$0x18880] =	vst v63  }
0x8c: {  	_ =	swait.ge @!p2 [sflag:s21], $0x2000  }
0x8d: {  	[sflag:s21] =	ssyncset.done @!p2 $0x0  }
0x8e: {  	s30 =	rddreg [dreg:$0x1a];
	[sflag:s21] =	ssyncadd.s32 @!p2 $0xFFFFE000  }
0x8f: {  	[hbm4b:s30+s2] =	stream.linear.scatter [tilespmem:s4], [sflag:$0x6], $0x8000, $0x38;
	[tilespmem:$0x18880] =	vst v63  }
0x90: {  	p2 =	sne.s32 s18, $0x6;
	_ =	swait.ge [sflag:s5], $0x8000  }
0x91: {  	s20 =	sshll.u32 @!p2 s19, $0x5;
	s21 =	simm.s32 @!p2 $0x8;
	[sflag:s5] =	ssyncset.done $0x0  }
0x92: {  	s22 =	simm.s32 @!p2 $0x0;
	s20 =	sshra.s32 @!p2 s20, $0x2;
	[sflag:s5] =	ssyncadd.s32 $0xFFFF8000  }
0x93: {  	[tilespmem:s20], [sflag:$0x8] =	stream.linear.gather @!p2 [hbm4b:s8+s22], $0x2000, $0x38;
	[tilespmem:$0x18880] =	vst v63  }
0x94: {  	_ =	swait.ge @!p2 [sflag:s21], $0x2000  }
0x95: {  	[sflag:s21] =	ssyncset.done @!p2 $0x0  }
0x96: {  	s31 =	rddreg [dreg:$0x1b];
	[sflag:s21] =	ssyncadd.s32 @!p2 $0xFFFFE000;
	p2 =	sne.s32 s18, $0x7  }
0x97: {  	[hbm4b:s31+s2] =	stream.linear.scatter [tilespmem:s2], [sflag:$0x4], $0x8000, $0x38;
	[tilespmem:$0x18880] =	vst v63  }
0x98: {  	s18 =	sshll.u32 @!p2 s19, $0x5;
	_ =	swait.ge [sflag:s12], $0x8000  }
0x99: {  	s19 =	simm.s32 @!p2 $0x8;
	s18 =	sshra.s32 @!p2 s18, $0x2;
	[sflag:s12] =	ssyncset.done $0x0  }
0x9a: {  	s20 =	simm.s32 @!p2 $0x0;
	s18 =	sadd.s32 @!p2 $0x8000, s18;
	[sflag:s12] =	ssyncadd.s32 $0xFFFF8000  }
0x9b: {  	[tilespmem:s18], [sflag:$0x8] =	stream.linear.gather @!p2 [hbm4b:s8+s20], $0x2000, $0x38;
	[tilespmem:$0x18880] =	vst v63  }
0x9c: {  	_ =	swait.ge @!p2 [sflag:s19], $0x2000  }
0x9d: {  	[sflag:s19] =	ssyncset.done @!p2 $0x0  }
0x9e: {  	s20 =	rddreg [dreg:$0x1c];
	[sflag:s19] =	ssyncadd.s32 @!p2 $0xFFFFE000  }
0x9f: {  	[hbm4b:s20+s2] =	stream.linear.scatter [tilespmem:s3], [sflag:$0x5], $0x8000, $0x38;
	[tilespmem:$0x18880] =	vst v63  }
0xa0: {  	_ =	swait.ge [sflag:s11], $0x8000  }
0xa1: {  	[sflag:s11] =	ssyncset.done $0x0  }
0xa2: {  	[sflag:s11] =	ssyncadd.s32 $0xFFFF8000  }
0xa3: {  	_ =	swait.ge [sflag:s6], $0x8000  }
0xa4: {  	[sflag:s6] =	ssyncset.done $0x0  }
0xa5: {  	[sflag:s6] =	ssyncadd.s32 $0xFFFF8000  }
0xa6: {  	_ =	swait.ge [sflag:s9], $0x8000  }
0xa7: {  	s21 =	rddreg [dreg:$0x1d];
	[sflag:s9] =	ssyncset.done $0x0  }
0xa8: {  	s22 =	rddreg [dreg:$0x8];
	[sflag:s9] =	ssyncadd.s32 $0xFFFF8000  }
0xa9: {  	[tilespmem:s21], [sflag:$0x8] =	stream.linear.gather [hbm4b:s22+s2], $0x80, $0x38;
	[tilespmem:$0x18880] =	vst v63  }
0xaa: {  	_ =	swait.ge [sflag:s14], $0x80  }
0xab: {  	[sflag:s14] =	ssyncset.done $0x0  }
0xac: {  	[sflag:s14] =	ssyncadd.s32 $0xFFFFFF80  }
0xad: {  	v0 =	vld [tilespmem:$0x18800];
	_ =	sdelay $0x4  }
0xae: {  	(v2sf) =	vpush v0, $0x0;
	_ =	sdelay $0x5  }
0xaf: {  	s23 =	rddreg [dreg:$0x9]  }
0xb0: {  	[tilespmem:s2], [sflag:$0x1] =	stream.linear.gather [hbm4b:s23+s2], $0x8000, $0x38;
	[tilespmem:$0x18880] =	vst v63  }
0xb1: {  	s24 =	rddreg [dreg:$0xa]  }
0xb2: {  	[tilespmem:s3], [sflag:$0x2] =	stream.linear.gather [hbm4b:s24+s2], $0x8000, $0x38;
	[tilespmem:$0x18880] =	vst v63  }
0xb3: {  	s25 =	rddreg [dreg:$0xb]  }
0xb4: {  	[tilespmem:s4], [sflag:$0x3] =	stream.linear.gather [hbm4b:s25+s2], $0x8000, $0x38;
	[tilespmem:$0x18880] =	vst v63  }
0xb5: {  	s26 =	rddreg [dreg:$0xc]  }
0xb6: {  	[tilespmem:s15], [sflag:$0x8] =	stream.linear.gather [hbm4b:s26+s2], $0x800, $0x38;
	[tilespmem:$0x18880] =	vst v63  }
0xb7: {  	_ =	swait.ge [sflag:s14], $0x800  }
0xb8: {  	s20 =	spop (v2sf)  }
0xb9: {  	s18 =	rddreg [dreg:$0xd];
	p2 =	slt.s32 s20, s10  }
0xba: {  	p3 =	sge.s32 @!p2 s20, s18  }
0xbb: {  	[sflag:s14] =	ssyncset.done $0x0;
	p2 =	por p3, p2  }
0xbc: {  	s21 =	rddreg [dreg:$0x7];
	[sflag:s14] =	ssyncadd.s32 $0xFFFFF800;
	s23 =	ssub.s32 @!p2 s20, s10  }
0xbd: {  	s25 =	simm.s32 @!p2 $0x0;
	s26 =	simm.s32 @!p2 $0x8;
	s23 =	sadd.s32 @!p2 $0x18000, s23  }
0xbe: {  	[tilespmem:s23], [sflag:$0x8] =	stream.linear.gather @!p2 [hbm4b:s21+s25], $0x400, $0x38;
	[tilespmem:$0x18880] =	vst v63  }
0xbf: {  	s17 =	sadd.s32 $0xFFFFFFFF, s17;
	_ =	swait.ge @!p2 [sflag:s26], $0x400  }
0xc0: {  	p1 =	sne.s32 s17, $0x0;
	[sflag:s26] =	ssyncset.done @!p2 $0x0  }
0xc1: {  	s22 =	simm.s32 $0x1;
	s29 =	rddreg [dreg:$0xe];
	[sflag:s26] =	ssyncadd.s32 @!p2 $0xFFFFFC00  }
0xc2: {  	[hbm4b:s29+s2] =	stream.linear.scatter [tilespmem:s15], [sflag:$0x8], $0x800, $0x38;
	[tilespmem:$0x18880] =	vst v63  }
0xc3: {  	s19 =	ssub.s32 s20, s7;
	p4 =	sne.s32 s20, s7;
	_ =	swait.ge [sflag:s14], $0x800  }
0xc4: {  	s24 =	sand.u32 $0xC00, s20;
	s28 =	sshra.s32 s19, $0x1F;
	[sflag:s14] =	ssyncset.done $0x0  }
0xc5: {  	s22 =	simm.s32 @!p4 $0x0;
	p6 =	sne.s32 s24, $0x0;
	[sflag:s14] =	ssyncadd.s32 $0xFFFFF800  }
0xc6: {  	s22 =	sor.u32 s22, s28;
	s18 =	sshrl.u32 s28, $0x14;
	_ =	swait.ge @!p0 [sflag:s16], $0x80  }
0xc7: {  	p5 =	sne.s32 s22, $0x1;
	s18 =	sadd.s32 s18, s19;
	[sflag:s16] =	ssyncset.done @!p0 $0x0  }
0xc8: {  	s22 =	simm.s32 $0x1;
	p3 =	por !p6, !p5;
	[sflag:s16] =	ssyncadd.s32 @!p0 $0xFFFFFF80  }
0xc9: {  	s18 =	sshra.s32 s18, $0xC;
	p2 =	por !p3, !p3;
	_ =	swait.ge @!p0 [sflag:s16], $0x80  }
0xca: {  	p3 =	sge.s32 s20, s7;
	s22 =	simm.s32 @!p2 $0x0;
	s30 =	rddreg [dreg:$0xf]  }
0xcb: {  	s18 =	ssub.s32 s18, s22;
	[sflag:s16] =	ssyncset.done @!p0 $0x0;
	p2 =	slt.s32 s20, s30  }
0xcc: {  	s31 =	sshll.u32 s18, $0xC;
	[sflag:s16] =	ssyncadd.s32 @!p0 $0xFFFFFF80;
	s18 =	simm.s32 @!p2 $0xFFFFFFFF  }
.Ltmp1:
0xcd: {  	_ =	swait.ge [sflag:s5], $0x8000;
	s18 =	simm.s32 @!p3 $0xFFFFFFFF;
	(pc) =	sbr.rel @p1 .LBB2_1-.Ltmp1, $4  }
0xce: {  	s19 =	ssub.s32 s19, s31;
	[sflag:s5] =	ssyncset.done $0x0;
	p2 =	sne.s32 s18, $0x0  }
0xcf: {  	[sflag:s5] =	ssyncadd.s32 $0xFFFF8000;
	s21 =	sshll.u32 @!p2 s19, $0x5  }
0xd0: {  	s20 =	simm.s32 @!p2 $0x8;
	s22 =	simm.s32 @!p2 $0x0;
	s21 =	sshra.s32 @!p2 s21, $0x2  }
0xd1: {  	[tilespmem:s21], [sflag:$0x8] =	stream.linear.gather @!p2 [hbm4b:s8+s22], $0x2000, $0x38;
	[tilespmem:$0x18880] =	vst v63  }
.LBB2_2:
0xd2: {  	_ =	swait.ge @!p2 [sflag:s20], $0x2000  }
0xd3: {  	[sflag:s20] =	ssyncset.done @!p2 $0x0  }
0xd4: {  	s7 =	rddreg [dreg:$0x10];
	[sflag:s20] =	ssyncadd.s32 @!p2 $0xFFFFE000  }
0xd5: {  	[hbm4b:s7+s2] =	stream.linear.scatter [tilespmem:s2], [sflag:$0x4], $0x8000, $0x38;
	[tilespmem:$0x18880] =	vst v63  }
0xd6: {  	_ =	swait.ge [sflag:s6], $0x8000  }
0xd7: {  	[sflag:s6] =	ssyncset.done $0x0  }
0xd8: {  	p0 =	sne.s32 s18, $0x1;
	s17 =	rddreg [dreg:$0x11];
	[sflag:s6] =	ssyncadd.s32 $0xFFFF8000  }
0xd9: {  	[tilespmem:s2], [sflag:$0x1] =	stream.linear.gather [hbm4b:s17+s2], $0x8000, $0x38;
	[tilespmem:$0x18880] =	vst v63  }
0xda: {  	s7 =	sshll.u32 @!p0 s19, $0x5;
	_ =	swait.ge [sflag:s12], $0x8000  }
0xdb: {  	s10 =	simm.s32 @!p0 $0x8;
	s7 =	sshra.s32 @!p0 s7, $0x2;
	[sflag:s12] =	ssyncset.done $0x0  }
0xdc: {  	s14 =	simm.s32 @!p0 $0x0;
	s7 =	sadd.s32 @!p0 $0x8000, s7;
	[sflag:s12] =	ssyncadd.s32 $0xFFFF8000  }
0xdd: {  	[tilespmem:s7], [sflag:$0x8] =	stream.linear.gather @!p0 [hbm4b:s8+s14], $0x2000, $0x38;
	[tilespmem:$0x18880] =	vst v63  }
0xde: {  	_ =	swait.ge @!p0 [sflag:s10], $0x2000  }
0xdf: {  	[sflag:s10] =	ssyncset.done @!p0 $0x0  }
0xe0: {  	s20 =	rddreg [dreg:$0x12];
	[sflag:s10] =	ssyncadd.s32 @!p0 $0xFFFFE000  }
0xe1: {  	[hbm4b:s20+s2] =	stream.linear.scatter [tilespmem:s3], [sflag:$0x5], $0x8000, $0x38;
	[tilespmem:$0x18880] =	vst v63  }
0xe2: {  	_ =	swait.ge [sflag:s9], $0x8000  }
0xe3: {  	[sflag:s9] =	ssyncset.done $0x0  }
0xe4: {  	p0 =	sne.s32 s18, $0x2;
	s21 =	rddreg [dreg:$0x13];
	[sflag:s9] =	ssyncadd.s32 $0xFFFF8000  }
0xe5: {  	[tilespmem:s3], [sflag:$0x2] =	stream.linear.gather [hbm4b:s21+s2], $0x8000, $0x38;
	[tilespmem:$0x18880] =	vst v63  }
0xe6: {  	s7 =	sshll.u32 @!p0 s19, $0x5;
	_ =	swait.ge [sflag:s13], $0x8000  }
0xe7: {  	s10 =	simm.s32 @!p0 $0x8;
	s7 =	sshra.s32 @!p0 s7, $0x2;
	[sflag:s13] =	ssyncset.done $0x0  }
0xe8: {  	s14 =	simm.s32 @!p0 $0x0;
	s7 =	sadd.s32 @!p0 $0x10000, s7;
	[sflag:s13] =	ssyncadd.s32 $0xFFFF8000  }
0xe9: {  	[tilespmem:s7], [sflag:$0x8] =	stream.linear.gather @!p0 [hbm4b:s8+s14], $0x2000, $0x38;
	[tilespmem:$0x18880] =	vst v63  }
0xea: {  	_ =	swait.ge @!p0 [sflag:s10], $0x2000  }
0xeb: {  	[sflag:s10] =	ssyncset.done @!p0 $0x0  }
0xec: {  	s22 =	rddreg [dreg:$0x14];
	[sflag:s10] =	ssyncadd.s32 @!p0 $0xFFFFE000  }
0xed: {  	[hbm4b:s22+s2] =	stream.linear.scatter [tilespmem:s4], [sflag:$0x6], $0x8000, $0x38;
	[tilespmem:$0x18880] =	vst v63  }
0xee: {  	_ =	swait.ge [sflag:s11], $0x8000  }
0xef: {  	[sflag:s11] =	ssyncset.done $0x0  }
0xf0: {  	s23 =	rddreg [dreg:$0x15];
	[sflag:s11] =	ssyncadd.s32 $0xFFFF8000  }
0xf1: {  	[tilespmem:s4], [sflag:$0x3] =	stream.linear.gather [hbm4b:s23+s2], $0x8000, $0x38;
	[tilespmem:$0x18880] =	vst v63  }
0xf2: {  	p0 =	sne.s32 s18, $0x3;
	_ =	swait.ge [sflag:s5], $0x8000  }
0xf3: {  	s7 =	sshll.u32 @!p0 s19, $0x5;
	s10 =	simm.s32 @!p0 $0x8;
	[sflag:s5] =	ssyncset.done $0x0  }
0xf4: {  	s14 =	simm.s32 @!p0 $0x0;
	s7 =	sshra.s32 @!p0 s7, $0x2;
	[sflag:s5] =	ssyncadd.s32 $0xFFFF8000  }
0xf5: {  	[tilespmem:s7], [sflag:$0x8] =	stream.linear.gather @!p0 [hbm4b:s8+s14], $0x2000, $0x38;
	[tilespmem:$0x18880] =	vst v63  }
0xf6: {  	_ =	swait.ge @!p0 [sflag:s10], $0x2000  }
0xf7: {  	[sflag:s10] =	ssyncset.done @!p0 $0x0  }
0xf8: {  	s24 =	rddreg [dreg:$0x16];
	[sflag:s10] =	ssyncadd.s32 @!p0 $0xFFFFE000  }
0xf9: {  	[hbm4b:s24+s2] =	stream.linear.scatter [tilespmem:s2], [sflag:$0x4], $0x8000, $0x38;
	[tilespmem:$0x18880] =	vst v63  }
0xfa: {  	_ =	swait.ge [sflag:s6], $0x8000  }
0xfb: {  	[sflag:s6] =	ssyncset.done $0x0  }
0xfc: {  	p0 =	sne.s32 s18, $0x4;
	s25 =	rddreg [dreg:$0x17];
	[sflag:s6] =	ssyncadd.s32 $0xFFFF8000  }
0xfd: {  	[tilespmem:s2], [sflag:$0x1] =	stream.linear.gather [hbm4b:s25+s2], $0x8000, $0x38;
	[tilespmem:$0x18880] =	vst v63  }
0xfe: {  	s7 =	sshll.u32 @!p0 s19, $0x5;
	_ =	swait.ge [sflag:s12], $0x8000  }
0xff: {  	s10 =	simm.s32 @!p0 $0x8;
	s7 =	sshra.s32 @!p0 s7, $0x2;
	[sflag:s12] =	ssyncset.done $0x0  }
0x100: {  	s14 =	simm.s32 @!p0 $0x0;
	s7 =	sadd.s32 @!p0 $0x8000, s7;
	[sflag:s12] =	ssyncadd.s32 $0xFFFF8000  }
0x101: {  	[tilespmem:s7], [sflag:$0x8] =	stream.linear.gather @!p0 [hbm4b:s8+s14], $0x2000, $0x38;
	[tilespmem:$0x18880] =	vst v63  }
0x102: {  	_ =	swait.ge @!p0 [sflag:s10], $0x2000  }
0x103: {  	[sflag:s10] =	ssyncset.done @!p0 $0x0  }
0x104: {  	s26 =	rddreg [dreg:$0x18];
	[sflag:s10] =	ssyncadd.s32 @!p0 $0xFFFFE000  }
0x105: {  	[hbm4b:s26+s2] =	stream.linear.scatter [tilespmem:s3], [sflag:$0x5], $0x8000, $0x38;
	[tilespmem:$0x18880] =	vst v63  }
0x106: {  	_ =	swait.ge [sflag:s9], $0x8000  }
0x107: {  	[sflag:s9] =	ssyncset.done $0x0  }
0x108: {  	p0 =	sne.s32 s18, $0x5;
	s28 =	rddreg [dreg:$0x19];
	[sflag:s9] =	ssyncadd.s32 $0xFFFF8000  }
0x109: {  	[tilespmem:s3], [sflag:$0x2] =	stream.linear.gather [hbm4b:s28+s2], $0x8000, $0x38;
	[tilespmem:$0x18880] =	vst v63  }
0x10a: {  	s7 =	sshll.u32 @!p0 s19, $0x5;
	_ =	swait.ge [sflag:s13], $0x8000  }
0x10b: {  	s10 =	simm.s32 @!p0 $0x8;
	s7 =	sshra.s32 @!p0 s7, $0x2;
	[sflag:s13] =	ssyncset.done $0x0  }
0x10c: {  	s7 =	sadd.s32 @!p0 $0x10000, s7;
	[sflag:s13] =	ssyncadd.s32 $0xFFFF8000;
	s13 =	simm.s32 @!p0 $0x0  }
0x10d: {  	[tilespmem:s7], [sflag:$0x8] =	stream.linear.gather @!p0 [hbm4b:s8+s13], $0x2000, $0x38;
	[tilespmem:$0x18880] =	vst v63  }
0x10e: {  	_ =	swait.ge @!p0 [sflag:s10], $0x2000  }
0x10f: {  	[sflag:s10] =	ssyncset.done @!p0 $0x0  }
0x110: {  	s29 =	rddreg [dreg:$0x1a];
	[sflag:s10] =	ssyncadd.s32 @!p0 $0xFFFFE000  }
0x111: {  	[hbm4b:s29+s2] =	stream.linear.scatter [tilespmem:s4], [sflag:$0x6], $0x8000, $0x38;
	[tilespmem:$0x18880] =	vst v63  }
0x112: {  	p0 =	sne.s32 s18, $0x6;
	_ =	swait.ge [sflag:s5], $0x8000  }
0x113: {  	s4 =	sshll.u32 @!p0 s19, $0x5;
	s7 =	simm.s32 @!p0 $0x8;
	[sflag:s5] =	ssyncset.done $0x0  }
0x114: {  	s4 =	sshra.s32 @!p0 s4, $0x2;
	[sflag:s5] =	ssyncadd.s32 $0xFFFF8000;
	s5 =	simm.s32 @!p0 $0x0  }
0x115: {  	[tilespmem:s4], [sflag:$0x8] =	stream.linear.gather @!p0 [hbm4b:s8+s5], $0x2000, $0x38;
	[tilespmem:$0x18880] =	vst v63  }
0x116: {  	_ =	swait.ge @!p0 [sflag:s7], $0x2000  }
0x117: {  	[sflag:s7] =	ssyncset.done @!p0 $0x0  }
0x118: {  	s30 =	rddreg [dreg:$0x1b];
	[sflag:s7] =	ssyncadd.s32 @!p0 $0xFFFFE000;
	p0 =	sne.s32 s18, $0x7  }
0x119: {  	[hbm4b:s30+s2] =	stream.linear.scatter [tilespmem:s2], [sflag:$0x4], $0x8000, $0x38;
	[tilespmem:$0x18880] =	vst v63  }
0x11a: {  	s4 =	sshll.u32 @!p0 s19, $0x5;
	_ =	swait.ge [sflag:s12], $0x8000  }
0x11b: {  	s5 =	simm.s32 @!p0 $0x8;
	s4 =	sshra.s32 @!p0 s4, $0x2;
	[sflag:s12] =	ssyncset.done $0x0  }
0x11c: {  	s7 =	simm.s32 @!p0 $0x0;
	s4 =	sadd.s32 @!p0 $0x8000, s4;
	[sflag:s12] =	ssyncadd.s32 $0xFFFF8000  }
0x11d: {  	[tilespmem:s4], [sflag:$0x8] =	stream.linear.gather @!p0 [hbm4b:s8+s7], $0x2000, $0x38;
	[tilespmem:$0x18880] =	vst v63  }
0x11e: {  	_ =	swait.ge @!p0 [sflag:s5], $0x2000  }
0x11f: {  	[sflag:s5] =	ssyncset.done @!p0 $0x0  }
0x120: {  	s31 =	rddreg [dreg:$0x1c];
	[sflag:s5] =	ssyncadd.s32 @!p0 $0xFFFFE000  }
0x121: {  	[hbm4b:s31+s2] =	stream.linear.scatter [tilespmem:s3], [sflag:$0x5], $0x8000, $0x38;
	[tilespmem:$0x18880] =	vst v63  }
0x122: {  	_ =	swait.ge [sflag:s11], $0x8000  }
0x123: {  	[sflag:s11] =	ssyncset.done $0x0  }
0x124: {  	[sflag:s11] =	ssyncadd.s32 $0xFFFF8000  }
0x125: {  	_ =	swait.ge [sflag:s6], $0x8000  }
0x126: {  	[sflag:s6] =	ssyncset.done $0x0  }
0x127: {  	[sflag:s6] =	ssyncadd.s32 $0xFFFF8000  }
0x128: {  	_ =	swait.ge [sflag:s9], $0x8000  }
0x129: {  	[sflag:s9] =	ssyncset.done $0x0  }
0x12a: {  	[sflag:s9] =	ssyncadd.s32 $0xFFFF8000  }
0x12b: {  	_ =	sfence.sel $0x180000  }
0x12c: {  	[bflag:$0x0] =	sbarrier.arrive $0xFFFF  }
0x12d: {  	p0 =	sne.s32 s0, $0x0;
	_ =	strace $0x90000047  }
0x12e: {  	s0 =	sadd.s32 @!p0 $0x100000, s1;
	[bflag:$0x2] =	sbarrier.arrive $0xFFFF  }
0x12f: {  	[sflag:s0] =	ssyncadd.tile.s32 @!p0 $0x1;
	_ =	shalt  }
.Lfunc_end2:
_tile_overlayer_lowered:
.L_overlay_start_2:
0x130: {  	(tag) =	ssettag $0x2  }
0x131: {  	s0 =	rddreg [dreg:$0x0];
	s2 =	stileid.u32  }
0x132: {  	s1 =	rddreg [dreg:$0x1];
	p0 =	sne.s32 s2, $0x0  }
0x133: {  	s3 =	rddreg [dreg:$0x2];
	[bflag:$0x3] =	sbarrier.arrive $0xFFFF;
	s2 =	simm.s32 @!p0 $0x1C08  }
0x134: {  	[timem:s3], [sflag:s2] =	dma.local @!p0 [hbm:s0], s1  }
0x135: {  	s0 =	simm.s32 @!p0 $0x8  }
0x136: {  	_ =	swait.ge @!p0 [sflag:s0], s1  }
0x137: {  	s1 =	ssub.s32 @!p0 $0x0, s1;
	[sflag:s0] =	ssyncset.done @!p0 $0x0  }
0x138: {  	[sflag:s0] =	ssyncadd.s32 @!p0 s1  }
0x139: {  	[bflag:$0x3] =	sbarrier.arrive $0xFFFF  }
0x13a: {  	_ =	shalt  }

</sc_bundles>
